<compile_context>
chip_gen: v7x
topology: tpu7x:2x2x1
jax: 0.10.2.dev20260603
libtpu: 0.0.44.dev20260713+nightly
codegen_flags: <defaults>
</compile_context>

<pallas_src>
import functools

import jax
import jax.numpy as jnp
from jax import lax
from jax.experimental import pallas as pl
from jax.experimental.pallas import tpu as pltpu
from jax.experimental.pallas import tpu_sc as plsc

EMBED = 128
BATCH = 16384
NFEAT = 4
NC, NS = 2, 16
NW = NC * NS
BPW = BATCH // NW
CH = 128
NBLK = BPW // CH
NT = NFEAT * NBLK
NBUF = 6
TABLE_ROWS = (4, 12, 7, 24)


def _body(x_hbm, t0, t1, t2, t3, out_hbm,
          idx_v, ts0, ts1, ts2, ts3, b0, b1, b2, b3, b4, b5,
          sg0, sg1, sg2, sw0, sw1, sw2, sw3, sw4, sw5):
    sid = lax.axis_index("s")
    wid = sid * NC + lax.axis_index("c")
    base_b = wid * BPW

    tables_sp = (ts0, ts1, ts2, ts3)

    icp = pltpu.async_copy(x_hbm.at[pl.ds(wid * NT, NT)], idx_v, sg0)
    for f, th in enumerate((t0, t1, t2, t3)):
        @pl.when(sid == f)
        def _(th=th, tsp=tables_sp[f]):
            pltpu.sync_copy(th, tsp)
    icp.wait()

    plsc.subcore_barrier()

    bufs = (b0, b1, b2, b3, b4, b5)
    gsems = (sg0, sg1, sg2)
    wsems = (sw0, sw1, sw2, sw3, sw4, sw5)

    def gather(t):
        return pltpu.async_copy(tables_sp[t // NBLK].at[idx_v.at[t]],
                                bufs[t % NBUF], gsems[t % 3])

    def write(t):
        f, q = divmod(t, NBLK)
        return pltpu.async_copy(
            bufs[t % NBUF],
            out_hbm.at[pl.ds(base_b + q * CH, CH),
                       pl.ds(f * EMBED, EMBED)],
            wsems[t % NBUF])

    gcp = [gather(0), gather(1), gather(2)]
    wcp = [None] * NBUF
    for t in range(NT):
        gcp[t % 3].wait()
        wcp[t % NBUF] = write(t)
        n = t + 3
        if n < NT:
            if wcp[n % NBUF] is not None:
                wcp[n % NBUF].wait()
                wcp[n % NBUF] = None
            gcp[n % 3] = gather(n)
    for p in range(NBUF):
        if wcp[p] is not None:
            wcp[p].wait()


_gather = functools.partial(
    pl.kernel,
    out_type=jax.ShapeDtypeStruct((BATCH, NFEAT * EMBED), jnp.float32),
    mesh=plsc.VectorSubcoreMesh(core_axis_name="c", subcore_axis_name="s"),
    scratch_types=[
        pltpu.VMEM((NT, CH), jnp.int32),
        pltpu.VMEM_SHARED((TABLE_ROWS[0], EMBED), jnp.float32),
        pltpu.VMEM_SHARED((TABLE_ROWS[1], EMBED), jnp.float32),
        pltpu.VMEM_SHARED((TABLE_ROWS[2], EMBED), jnp.float32),
        pltpu.VMEM_SHARED((TABLE_ROWS[3], EMBED), jnp.float32),
        pltpu.VMEM((CH, EMBED), jnp.float32),
        pltpu.VMEM((CH, EMBED), jnp.float32),
        pltpu.VMEM((CH, EMBED), jnp.float32),
        pltpu.VMEM((CH, EMBED), jnp.float32),
        pltpu.VMEM((CH, EMBED), jnp.float32),
        pltpu.VMEM((CH, EMBED), jnp.float32),
        pltpu.SemaphoreType.DMA,
        pltpu.SemaphoreType.DMA,
        pltpu.SemaphoreType.DMA,
        pltpu.SemaphoreType.DMA,
        pltpu.SemaphoreType.DMA,
        pltpu.SemaphoreType.DMA,
        pltpu.SemaphoreType.DMA,
        pltpu.SemaphoreType.DMA,
        pltpu.SemaphoreType.DMA,
    ],
)(_body)


@jax.jit
def kernel(x, W_season, W_month, W_day_of_week, W_hour):
    xt = (x[:, 2:6].astype(jnp.int32)
          .T.reshape(NFEAT, NW, BPW)
          .transpose(1, 0, 2)
          .reshape(NW * NT, CH))
    return _gather(xt, W_season, W_month, W_day_of_week, W_hour)

# --- scband reference (transcript-rebuilt; emitter-appended) ---
"""Pipeline reference for scband-embedding-layer-6614249636325 (READ-ONLY COPY).

The authoritative reference and input builder live on the scoring server;
editing this copy changes nothing except your own understanding.
"""

import jax, jax.numpy as jnp
import numpy as np

EMBED_SIZE = 128
NUMS_CATEGORIES = {'season': 4, 'month': 12, 'day_of_week': 7, 'hour': 24}
INDICES = {'lat': 0, 'lon': 1, 'season': 2, 'month': 3, 'day_of_week': 4, 'hour': 5}


def setup_inputs(seed: int = 0) -> dict:
    key = jax.random.key(seed)
    k_x, k_s, k_m, k_d, k_h = jax.random.split(key, 5)
    x = jax.random.randint(k_x, (16384, 6), 0, 4, dtype=jnp.int64)
    W_season = jax.random.normal(k_s, (4, EMBED_SIZE), dtype=jnp.float32)
    W_month = jax.random.normal(k_m, (12, EMBED_SIZE), dtype=jnp.float32)
    W_day_of_week = jax.random.normal(k_d, (7, EMBED_SIZE), dtype=jnp.float32)
    W_hour = jax.random.normal(k_h, (24, EMBED_SIZE), dtype=jnp.float32)
    return {'x': x, 'W_season': W_season, 'W_month': W_month,
            'W_day_of_week': W_day_of_week, 'W_hour': W_hour}


def reference(x, W_season, W_month, W_day_of_week, W_hour):
    tables = {'season': W_season, 'month': W_month,
              'day_of_week': W_day_of_week, 'hour': W_hour}
    embeddings = []
    for key in NUMS_CATEGORIES.keys():
        idx = x[:, INDICES[key]].astype(jnp.int32)
        embeddings.append(jnp.take(tables[key], idx, axis=0))
    return jnp.concatenate(embeddings, axis=1)

if __name__ == "__main__":
    import jax
    _d = setup_inputs()
    print(jax.jit(kernel)(*tuple(_d.values())))

</pallas_src>

<mosaic_0001>
#map = affine_map<(d0, d1) -> (0, 0)>
module attributes {stable_mosaic.version = 14 : i64} {
  func.func @_body(%arg0: i32, %arg1: i32, %arg2: memref<512x128xi32, #tpu.memory_space<hbm>>, %arg3: memref<4x128xf32, #tpu.memory_space<hbm>>, %arg4: memref<12x128xf32, #tpu.memory_space<hbm>>, %arg5: memref<7x128xf32, #tpu.memory_space<hbm>>, %arg6: memref<24x128xf32, #tpu.memory_space<hbm>>, %arg7: memref<16384x512xf32, #tpu.memory_space<hbm>>, %arg8: memref<16x128xi32, #tpu.memory_space<vmem>>, %arg9: memref<4x128xf32, #tpu.memory_space<vmem_shared>>, %arg10: memref<12x128xf32, #tpu.memory_space<vmem_shared>>, %arg11: memref<7x128xf32, #tpu.memory_space<vmem_shared>>, %arg12: memref<24x128xf32, #tpu.memory_space<vmem_shared>>, %arg13: memref<128x128xf32, #tpu.memory_space<vmem>>, %arg14: memref<128x128xf32, #tpu.memory_space<vmem>>, %arg15: memref<128x128xf32, #tpu.memory_space<vmem>>, %arg16: memref<128x128xf32, #tpu.memory_space<vmem>>, %arg17: memref<128x128xf32, #tpu.memory_space<vmem>>, %arg18: memref<128x128xf32, #tpu.memory_space<vmem>>, %arg19: memref<!tpu.dma_semaphore, #tpu.memory_space<semaphore_mem>>, %arg20: memref<!tpu.dma_semaphore, #tpu.memory_space<semaphore_mem>>, %arg21: memref<!tpu.dma_semaphore, #tpu.memory_space<semaphore_mem>>, %arg22: memref<!tpu.dma_semaphore, #tpu.memory_space<semaphore_mem>>, %arg23: memref<!tpu.dma_semaphore, #tpu.memory_space<semaphore_mem>>, %arg24: memref<!tpu.dma_semaphore, #tpu.memory_space<semaphore_mem>>, %arg25: memref<!tpu.dma_semaphore, #tpu.memory_space<semaphore_mem>>, %arg26: memref<!tpu.dma_semaphore, #tpu.memory_space<semaphore_mem>>, %arg27: memref<!tpu.dma_semaphore, #tpu.memory_space<semaphore_mem>>) attributes {dimension_semantics = [#tpu.dimension_semantics<core_parallel>, #tpu.dimension_semantics<subcore_parallel>], iteration_bounds = array<i64: 2, 16>, scalar_prefetch = 0 : i64, scratch_operands = 20 : i64, tpu.core_type = #tpu.core_type<sc_vector_subcore>, window_params = [{transform_indices = #map}, {transform_indices = #map}, {transform_indices = #map}, {transform_indices = #map}, {transform_indices = #map}, {transform_indices = #map}]} {
    %mul3A = arith.constant 2 : i32
    %mul3A_0 = arith.muli %arg1, %mul3A : i32
    %add3A = arith.addi %mul3A_0, %arg0 : i32
    %mul3A_1 = arith.constant 512 : i32
    %mul3A_2 = arith.muli %add3A, %mul3A_1 : i32
    %mul3A_3 = arith.constant 16 : i32
    %mul3A_4 = arith.muli %add3A, %mul3A_3 : i32
    %dma_start3A = arith.constant 0 : i32
    %dma_start3A_5 = tpu.memref_slice %arg2[%mul3A_4, %dma_start3A] : memref<512x128xi32, #tpu.memory_space<hbm>> -> memref<16x128xi32, #tpu.memory_space<hbm>>
    %dma_start3A_6 = arith.constant 0 : i32
    %dma_start3A_7 = tpu.memref_slice %arg2[%mul3A_4, %dma_start3A_6] : memref<512x128xi32, #tpu.memory_space<hbm>> -> memref<16x128xi32, #tpu.memory_space<hbm>>
    tpu.enqueue_dma source(%dma_start3A_7 : memref<16x128xi32, #tpu.memory_space<hbm>>) target(%arg8 : memref<16x128xi32, #tpu.memory_space<vmem>>) target_semaphore(%arg19 : memref<!tpu.dma_semaphore, #tpu.memory_space<semaphore_mem>>)
    %eq3A = arith.constant 0 : i32
    %eq3A_8 = arith.cmpi eq, %arg1, %eq3A : i32
    %convert_element_type3A = arith.extui %eq3A_8 : i1 to i32
    %cond3A = arith.constant 0 : i32
    %cond3A_9 = arith.cmpi ne, %convert_element_type3A, %cond3A : i32
    scf.if %cond3A_9 {
      "tpu.region"() ({
        %run_scoped3A = tpu.sem_alloc : memref<!tpu.dma_semaphore, #tpu.memory_space<semaphore_mem>>
        tpu.enqueue_dma source(%arg3 : memref<4x128xf32, #tpu.memory_space<hbm>>) target(%arg9 : memref<4x128xf32, #tpu.memory_space<vmem_shared>>) target_semaphore(%run_scoped3A : memref<!tpu.dma_semaphore, #tpu.memory_space<semaphore_mem>>)
        tpu.wait_dma2 semaphore(%run_scoped3A : memref<!tpu.dma_semaphore, #tpu.memory_space<semaphore_mem>>) src(%arg3 : memref<4x128xf32, #tpu.memory_space<hbm>>) dst(%arg9 : memref<4x128xf32, #tpu.memory_space<vmem_shared>>)
        tpu.yield
      }) : () -> ()
    } else {
    }
    %eq3A_10 = arith.constant 1 : i32
    %eq3A_11 = arith.cmpi eq, %arg1, %eq3A_10 : i32
    %convert_element_type3A_12 = arith.extui %eq3A_11 : i1 to i32
    %cond3A_13 = arith.constant 0 : i32
    %cond3A_14 = arith.cmpi ne, %convert_element_type3A_12, %cond3A_13 : i32
    scf.if %cond3A_14 {
      "tpu.region"() ({
        %run_scoped3A = tpu.sem_alloc : memref<!tpu.dma_semaphore, #tpu.memory_space<semaphore_mem>>
        tpu.enqueue_dma source(%arg4 : memref<12x128xf32, #tpu.memory_space<hbm>>) target(%arg10 : memref<12x128xf32, #tpu.memory_space<vmem_shared>>) target_semaphore(%run_scoped3A : memref<!tpu.dma_semaphore, #tpu.memory_space<semaphore_mem>>)
        tpu.wait_dma2 semaphore(%run_scoped3A : memref<!tpu.dma_semaphore, #tpu.memory_space<semaphore_mem>>) src(%arg4 : memref<12x128xf32, #tpu.memory_space<hbm>>) dst(%arg10 : memref<12x128xf32, #tpu.memory_space<vmem_shared>>)
        tpu.yield
      }) : () -> ()
    } else {
    }
    %eq3A_15 = arith.constant 2 : i32
    %eq3A_16 = arith.cmpi eq, %arg1, %eq3A_15 : i32
    %convert_element_type3A_17 = arith.extui %eq3A_16 : i1 to i32
    %cond3A_18 = arith.constant 0 : i32
    %cond3A_19 = arith.cmpi ne, %convert_element_type3A_17, %cond3A_18 : i32
    scf.if %cond3A_19 {
      "tpu.region"() ({
        %run_scoped3A = tpu.sem_alloc : memref<!tpu.dma_semaphore, #tpu.memory_space<semaphore_mem>>
        tpu.enqueue_dma source(%arg5 : memref<7x128xf32, #tpu.memory_space<hbm>>) target(%arg11 : memref<7x128xf32, #tpu.memory_space<vmem_shared>>) target_semaphore(%run_scoped3A : memref<!tpu.dma_semaphore, #tpu.memory_space<semaphore_mem>>)
        tpu.wait_dma2 semaphore(%run_scoped3A : memref<!tpu.dma_semaphore, #tpu.memory_space<semaphore_mem>>) src(%arg5 : memref<7x128xf32, #tpu.memory_space<hbm>>) dst(%arg11 : memref<7x128xf32, #tpu.memory_space<vmem_shared>>)
        tpu.yield
      }) : () -> ()
    } else {
    }
    %eq3A_20 = arith.constant 3 : i32
    %eq3A_21 = arith.cmpi eq, %arg1, %eq3A_20 : i32
    %convert_element_type3A_22 = arith.extui %eq3A_21 : i1 to i32
    %cond3A_23 = arith.constant 0 : i32
    %cond3A_24 = arith.cmpi ne, %convert_element_type3A_22, %cond3A_23 : i32
    scf.if %cond3A_24 {
      "tpu.region"() ({
        %run_scoped3A = tpu.sem_alloc : memref<!tpu.dma_semaphore, #tpu.memory_space<semaphore_mem>>
        tpu.enqueue_dma source(%arg6 : memref<24x128xf32, #tpu.memory_space<hbm>>) target(%arg12 : memref<24x128xf32, #tpu.memory_space<vmem_shared>>) target_semaphore(%run_scoped3A : memref<!tpu.dma_semaphore, #tpu.memory_space<semaphore_mem>>)
        tpu.wait_dma2 semaphore(%run_scoped3A : memref<!tpu.dma_semaphore, #tpu.memory_space<semaphore_mem>>) src(%arg6 : memref<24x128xf32, #tpu.memory_space<hbm>>) dst(%arg12 : memref<24x128xf32, #tpu.memory_space<vmem_shared>>)
        tpu.yield
      }) : () -> ()
    } else {
    }
    %dma_wait3A = arith.constant 0 : i32
    %dma_wait3A_25 = tpu.memref_slice %arg2[%mul3A_4, %dma_wait3A] : memref<512x128xi32, #tpu.memory_space<hbm>> -> memref<16x128xi32, #tpu.memory_space<hbm>>
    %dma_wait3A_26 = arith.constant 0 : i32
    %dma_wait3A_27 = tpu.memref_slice %arg2[%mul3A_4, %dma_wait3A_26] : memref<512x128xi32, #tpu.memory_space<hbm>> -> memref<16x128xi32, #tpu.memory_space<hbm>>
    tpu.wait_dma2 semaphore(%arg19 : memref<!tpu.dma_semaphore, #tpu.memory_space<semaphore_mem>>) src(%dma_wait3A_27 : memref<16x128xi32, #tpu.memory_space<hbm>>) dst(%arg8 : memref<16x128xi32, #tpu.memory_space<vmem>>)
    %barrier3A = arith.constant 0 : index
    tpu.barrier barrier_id(%barrier3A)
    %dma_start3A_28 = arith.constant 0 : i32
    %dma_start3A_29 = arith.constant 0 : i32
    %dma_start3A_30 = tpu.memref_slice %arg8[%dma_start3A_28, %dma_start3A_29] : memref<16x128xi32, #tpu.memory_space<vmem>> -> memref<1x128xi32, #tpu.memory_space<vmem>>
    %dma_start3A_31 = tpu.memref_squeeze %dma_start3A_30 : memref<1x128xi32, #tpu.memory_space<vmem>> -> memref<128xi32, #tpu.memory_space<vmem>>
    %dma_start3A_32 = arith.constant 0 : i32
    %dma_start3A_33 = arith.constant 0 : i32
    %dma_start3A_34 = tpu.memref_slice %arg9[%dma_start3A_32, %dma_start3A_33] : memref<4x128xf32, #tpu.memory_space<vmem_shared>> -> memref<4x128xf32, #tpu.memory_space<vmem_shared>>
    tpu.enqueue_indirect_dma source(%dma_start3A_34 : memref<4x128xf32, #tpu.memory_space<vmem_shared>>) target(%arg13 : memref<128x128xf32, #tpu.memory_space<vmem>>) offsets(%dma_start3A_31 : memref<128xi32, #tpu.memory_space<vmem>>) semaphore(%arg19 : memref<!tpu.dma_semaphore, #tpu.memory_space<semaphore_mem>>)
    %dma_start3A_35 = arith.constant 1 : i32
    %dma_start3A_36 = arith.constant 0 : i32
    %dma_start3A_37 = tpu.memref_slice %arg8[%dma_start3A_35, %dma_start3A_36] : memref<16x128xi32, #tpu.memory_space<vmem>> -> memref<1x128xi32, #tpu.memory_space<vmem>>
    %dma_start3A_38 = tpu.memref_squeeze %dma_start3A_37 : memref<1x128xi32, #tpu.memory_space<vmem>> -> memref<128xi32, #tpu.memory_space<vmem>>
    %dma_start3A_39 = arith.constant 0 : i32
    %dma_start3A_40 = arith.constant 0 : i32
    %dma_start3A_41 = tpu.memref_slice %arg9[%dma_start3A_39, %dma_start3A_40] : memref<4x128xf32, #tpu.memory_space<vmem_shared>> -> memref<4x128xf32, #tpu.memory_space<vmem_shared>>
    tpu.enqueue_indirect_dma source(%dma_start3A_41 : memref<4x128xf32, #tpu.memory_space<vmem_shared>>) target(%arg14 : memref<128x128xf32, #tpu.memory_space<vmem>>) offsets(%dma_start3A_38 : memref<128xi32, #tpu.memory_space<vmem>>) semaphore(%arg20 : memref<!tpu.dma_semaphore, #tpu.memory_space<semaphore_mem>>)
    %dma_start3A_42 = arith.constant 2 : i32
    %dma_start3A_43 = arith.constant 0 : i32
    %dma_start3A_44 = tpu.memref_slice %arg8[%dma_start3A_42, %dma_start3A_43] : memref<16x128xi32, #tpu.memory_space<vmem>> -> memref<1x128xi32, #tpu.memory_space<vmem>>
    %dma_start3A_45 = tpu.memref_squeeze %dma_start3A_44 : memref<1x128xi32, #tpu.memory_space<vmem>> -> memref<128xi32, #tpu.memory_space<vmem>>
    %dma_start3A_46 = arith.constant 0 : i32
    %dma_start3A_47 = arith.constant 0 : i32
    %dma_start3A_48 = tpu.memref_slice %arg9[%dma_start3A_46, %dma_start3A_47] : memref<4x128xf32, #tpu.memory_space<vmem_shared>> -> memref<4x128xf32, #tpu.memory_space<vmem_shared>>
    tpu.enqueue_indirect_dma source(%dma_start3A_48 : memref<4x128xf32, #tpu.memory_space<vmem_shared>>) target(%arg15 : memref<128x128xf32, #tpu.memory_space<vmem>>) offsets(%dma_start3A_45 : memref<128xi32, #tpu.memory_space<vmem>>) semaphore(%arg21 : memref<!tpu.dma_semaphore, #tpu.memory_space<semaphore_mem>>)
    %dma_wait3A_49 = arith.constant 0 : i32
    %dma_wait3A_50 = arith.constant 0 : i32
    %dma_wait3A_51 = tpu.memref_slice %arg8[%dma_wait3A_49, %dma_wait3A_50] : memref<16x128xi32, #tpu.memory_space<vmem>> -> memref<1x128xi32, #tpu.memory_space<vmem>>
    %dma_wait3A_52 = tpu.memref_squeeze %dma_wait3A_51 : memref<1x128xi32, #tpu.memory_space<vmem>> -> memref<128xi32, #tpu.memory_space<vmem>>
    %dma_wait3A_53 = arith.constant 0 : i32
    %dma_wait3A_54 = arith.constant 0 : i32
    %dma_wait3A_55 = tpu.memref_slice %arg9[%dma_wait3A_53, %dma_wait3A_54] : memref<4x128xf32, #tpu.memory_space<vmem_shared>> -> memref<4x128xf32, #tpu.memory_space<vmem_shared>>
    tpu.wait_indirect_dma semaphore(%arg19 : memref<!tpu.dma_semaphore, #tpu.memory_space<semaphore_mem>>) src(%dma_wait3A_55 : memref<4x128xf32, #tpu.memory_space<vmem_shared>>) dst(%arg13 : memref<128x128xf32, #tpu.memory_space<vmem>>)
    %add3A_56 = arith.constant 0 : i32
    %add3A_57 = arith.addi %mul3A_2, %add3A_56 : i32
    %dma_start3A_58 = arith.constant 0 : i32
    %dma_start3A_59 = tpu.memref_slice %arg7[%add3A_57, %dma_start3A_58] : memref<16384x512xf32, #tpu.memory_space<hbm>> -> memref<128x128xf32, #tpu.memory_space<hbm>>
    %dma_start3A_60 = arith.constant 0 : i32
    %dma_start3A_61 = tpu.memref_slice %arg7[%add3A_57, %dma_start3A_60] : memref<16384x512xf32, #tpu.memory_space<hbm>> -> memref<128x128xf32, #tpu.memory_space<hbm>>
    tpu.enqueue_dma source(%arg13 : memref<128x128xf32, #tpu.memory_space<vmem>>) target(%dma_start3A_61 : memref<128x128xf32, #tpu.memory_space<hbm>>) target_semaphore(%arg22 : memref<!tpu.dma_semaphore, #tpu.memory_space<semaphore_mem>>)
    %dma_start3A_62 = arith.constant 3 : i32
    %dma_start3A_63 = arith.constant 0 : i32
    %dma_start3A_64 = tpu.memref_slice %arg8[%dma_start3A_62, %dma_start3A_63] : memref<16x128xi32, #tpu.memory_space<vmem>> -> memref<1x128xi32, #tpu.memory_space<vmem>>
    %dma_start3A_65 = tpu.memref_squeeze %dma_start3A_64 : memref<1x128xi32, #tpu.memory_space<vmem>> -> memref<128xi32, #tpu.memory_space<vmem>>
    %dma_start3A_66 = arith.constant 0 : i32
    %dma_start3A_67 = arith.constant 0 : i32
    %dma_start3A_68 = tpu.memref_slice %arg9[%dma_start3A_66, %dma_start3A_67] : memref<4x128xf32, #tpu.memory_space<vmem_shared>> -> memref<4x128xf32, #tpu.memory_space<vmem_shared>>
    tpu.enqueue_indirect_dma source(%dma_start3A_68 : memref<4x128xf32, #tpu.memory_space<vmem_shared>>) target(%arg16 : memref<128x128xf32, #tpu.memory_space<vmem>>) offsets(%dma_start3A_65 : memref<128xi32, #tpu.memory_space<vmem>>) semaphore(%arg19 : memref<!tpu.dma_semaphore, #tpu.memory_space<semaphore_mem>>)
    %dma_wait3A_69 = arith.constant 1 : i32
    %dma_wait3A_70 = arith.constant 0 : i32
    %dma_wait3A_71 = tpu.memref_slice %arg8[%dma_wait3A_69, %dma_wait3A_70] : memref<16x128xi32, #tpu.memory_space<vmem>> -> memref<1x128xi32, #tpu.memory_space<vmem>>
    %dma_wait3A_72 = tpu.memref_squeeze %dma_wait3A_71 : memref<1x128xi32, #tpu.memory_space<vmem>> -> memref<128xi32, #tpu.memory_space<vmem>>
    %dma_wait3A_73 = arith.constant 0 : i32
    %dma_wait3A_74 = arith.constant 0 : i32
    %dma_wait3A_75 = tpu.memref_slice %arg9[%dma_wait3A_73, %dma_wait3A_74] : memref<4x128xf32, #tpu.memory_space<vmem_shared>> -> memref<4x128xf32, #tpu.memory_space<vmem_shared>>
    tpu.wait_indirect_dma semaphore(%arg20 : memref<!tpu.dma_semaphore, #tpu.memory_space<semaphore_mem>>) src(%dma_wait3A_75 : memref<4x128xf32, #tpu.memory_space<vmem_shared>>) dst(%arg14 : memref<128x128xf32, #tpu.memory_space<vmem>>)
    %add3A_76 = arith.constant 128 : i32
    %add3A_77 = arith.addi %mul3A_2, %add3A_76 : i32
    %dma_start3A_78 = arith.constant 0 : i32
    %dma_start3A_79 = tpu.memref_slice %arg7[%add3A_77, %dma_start3A_78] : memref<16384x512xf32, #tpu.memory_space<hbm>> -> memref<128x128xf32, #tpu.memory_space<hbm>>
    %dma_start3A_80 = arith.constant 0 : i32
    %dma_start3A_81 = tpu.memref_slice %arg7[%add3A_77, %dma_start3A_80] : memref<16384x512xf32, #tpu.memory_space<hbm>> -> memref<128x128xf32, #tpu.memory_space<hbm>>
    tpu.enqueue_dma source(%arg14 : memref<128x128xf32, #tpu.memory_space<vmem>>) target(%dma_start3A_81 : memref<128x128xf32, #tpu.memory_space<hbm>>) target_semaphore(%arg23 : memref<!tpu.dma_semaphore, #tpu.memory_space<semaphore_mem>>)
    %dma_start3A_82 = arith.constant 4 : i32
    %dma_start3A_83 = arith.constant 0 : i32
    %dma_start3A_84 = tpu.memref_slice %arg8[%dma_start3A_82, %dma_start3A_83] : memref<16x128xi32, #tpu.memory_space<vmem>> -> memref<1x128xi32, #tpu.memory_space<vmem>>
    %dma_start3A_85 = tpu.memref_squeeze %dma_start3A_84 : memref<1x128xi32, #tpu.memory_space<vmem>> -> memref<128xi32, #tpu.memory_space<vmem>>
    %dma_start3A_86 = arith.constant 0 : i32
    %dma_start3A_87 = arith.constant 0 : i32
    %dma_start3A_88 = tpu.memref_slice %arg10[%dma_start3A_86, %dma_start3A_87] : memref<12x128xf32, #tpu.memory_space<vmem_shared>> -> memref<12x128xf32, #tpu.memory_space<vmem_shared>>
    tpu.enqueue_indirect_dma source(%dma_start3A_88 : memref<12x128xf32, #tpu.memory_space<vmem_shared>>) target(%arg17 : memref<128x128xf32, #tpu.memory_space<vmem>>) offsets(%dma_start3A_85 : memref<128xi32, #tpu.memory_space<vmem>>) semaphore(%arg20 : memref<!tpu.dma_semaphore, #tpu.memory_space<semaphore_mem>>)
    %dma_wait3A_89 = arith.constant 2 : i32
    %dma_wait3A_90 = arith.constant 0 : i32
    %dma_wait3A_91 = tpu.memref_slice %arg8[%dma_wait3A_89, %dma_wait3A_90] : memref<16x128xi32, #tpu.memory_space<vmem>> -> memref<1x128xi32, #tpu.memory_space<vmem>>
    %dma_wait3A_92 = tpu.memref_squeeze %dma_wait3A_91 : memref<1x128xi32, #tpu.memory_space<vmem>> -> memref<128xi32, #tpu.memory_space<vmem>>
    %dma_wait3A_93 = arith.constant 0 : i32
    %dma_wait3A_94 = arith.constant 0 : i32
    %dma_wait3A_95 = tpu.memref_slice %arg9[%dma_wait3A_93, %dma_wait3A_94] : memref<4x128xf32, #tpu.memory_space<vmem_shared>> -> memref<4x128xf32, #tpu.memory_space<vmem_shared>>
    tpu.wait_indirect_dma semaphore(%arg21 : memref<!tpu.dma_semaphore, #tpu.memory_space<semaphore_mem>>) src(%dma_wait3A_95 : memref<4x128xf32, #tpu.memory_space<vmem_shared>>) dst(%arg15 : memref<128x128xf32, #tpu.memory_space<vmem>>)
    %add3A_96 = arith.constant 256 : i32
    %add3A_97 = arith.addi %mul3A_2, %add3A_96 : i32
    %dma_start3A_98 = arith.constant 0 : i32
    %dma_start3A_99 = tpu.memref_slice %arg7[%add3A_97, %dma_start3A_98] : memref<16384x512xf32, #tpu.memory_space<hbm>> -> memref<128x128xf32, #tpu.memory_space<hbm>>
    %dma_start3A_100 = arith.constant 0 : i32
    %dma_start3A_101 = tpu.memref_slice %arg7[%add3A_97, %dma_start3A_100] : memref<16384x512xf32, #tpu.memory_space<hbm>> -> memref<128x128xf32, #tpu.memory_space<hbm>>
    tpu.enqueue_dma source(%arg15 : memref<128x128xf32, #tpu.memory_space<vmem>>) target(%dma_start3A_101 : memref<128x128xf32, #tpu.memory_space<hbm>>) target_semaphore(%arg24 : memref<!tpu.dma_semaphore, #tpu.memory_space<semaphore_mem>>)
    %dma_start3A_102 = arith.constant 5 : i32
    %dma_start3A_103 = arith.constant 0 : i32
    %dma_start3A_104 = tpu.memref_slice %arg8[%dma_start3A_102, %dma_start3A_103] : memref<16x128xi32, #tpu.memory_space<vmem>> -> memref<1x128xi32, #tpu.memory_space<vmem>>
    %dma_start3A_105 = tpu.memref_squeeze %dma_start3A_104 : memref<1x128xi32, #tpu.memory_space<vmem>> -> memref<128xi32, #tpu.memory_space<vmem>>
    %dma_start3A_106 = arith.constant 0 : i32
    %dma_start3A_107 = arith.constant 0 : i32
    %dma_start3A_108 = tpu.memref_slice %arg10[%dma_start3A_106, %dma_start3A_107] : memref<12x128xf32, #tpu.memory_space<vmem_shared>> -> memref<12x128xf32, #tpu.memory_space<vmem_shared>>
    tpu.enqueue_indirect_dma source(%dma_start3A_108 : memref<12x128xf32, #tpu.memory_space<vmem_shared>>) target(%arg18 : memref<128x128xf32, #tpu.memory_space<vmem>>) offsets(%dma_start3A_105 : memref<128xi32, #tpu.memory_space<vmem>>) semaphore(%arg21 : memref<!tpu.dma_semaphore, #tpu.memory_space<semaphore_mem>>)
    %dma_wait3A_109 = arith.constant 3 : i32
    %dma_wait3A_110 = arith.constant 0 : i32
    %dma_wait3A_111 = tpu.memref_slice %arg8[%dma_wait3A_109, %dma_wait3A_110] : memref<16x128xi32, #tpu.memory_space<vmem>> -> memref<1x128xi32, #tpu.memory_space<vmem>>
    %dma_wait3A_112 = tpu.memref_squeeze %dma_wait3A_111 : memref<1x128xi32, #tpu.memory_space<vmem>> -> memref<128xi32, #tpu.memory_space<vmem>>
    %dma_wait3A_113 = arith.constant 0 : i32
    %dma_wait3A_114 = arith.constant 0 : i32
    %dma_wait3A_115 = tpu.memref_slice %arg9[%dma_wait3A_113, %dma_wait3A_114] : memref<4x128xf32, #tpu.memory_space<vmem_shared>> -> memref<4x128xf32, #tpu.memory_space<vmem_shared>>
    tpu.wait_indirect_dma semaphore(%arg19 : memref<!tpu.dma_semaphore, #tpu.memory_space<semaphore_mem>>) src(%dma_wait3A_115 : memref<4x128xf32, #tpu.memory_space<vmem_shared>>) dst(%arg16 : memref<128x128xf32, #tpu.memory_space<vmem>>)
    %add3A_116 = arith.constant 384 : i32
    %add3A_117 = arith.addi %mul3A_2, %add3A_116 : i32
    %dma_start3A_118 = arith.constant 0 : i32
    %dma_start3A_119 = tpu.memref_slice %arg7[%add3A_117, %dma_start3A_118] : memref<16384x512xf32, #tpu.memory_space<hbm>> -> memref<128x128xf32, #tpu.memory_space<hbm>>
    %dma_start3A_120 = arith.constant 0 : i32
    %dma_start3A_121 = tpu.memref_slice %arg7[%add3A_117, %dma_start3A_120] : memref<16384x512xf32, #tpu.memory_space<hbm>> -> memref<128x128xf32, #tpu.memory_space<hbm>>
    tpu.enqueue_dma source(%arg16 : memref<128x128xf32, #tpu.memory_space<vmem>>) target(%dma_start3A_121 : memref<128x128xf32, #tpu.memory_space<hbm>>) target_semaphore(%arg25 : memref<!tpu.dma_semaphore, #tpu.memory_space<semaphore_mem>>)
    %dma_wait3A_122 = arith.constant 0 : i32
    %dma_wait3A_123 = tpu.memref_slice %arg7[%add3A_57, %dma_wait3A_122] : memref<16384x512xf32, #tpu.memory_space<hbm>> -> memref<128x128xf32, #tpu.memory_space<hbm>>
    %dma_wait3A_124 = arith.constant 0 : i32
    %dma_wait3A_125 = tpu.memref_slice %arg7[%add3A_57, %dma_wait3A_124] : memref<16384x512xf32, #tpu.memory_space<hbm>> -> memref<128x128xf32, #tpu.memory_space<hbm>>
    tpu.wait_dma2 semaphore(%arg22 : memref<!tpu.dma_semaphore, #tpu.memory_space<semaphore_mem>>) src(%arg13 : memref<128x128xf32, #tpu.memory_space<vmem>>) dst(%dma_wait3A_125 : memref<128x128xf32, #tpu.memory_space<hbm>>)
    %dma_start3A_126 = arith.constant 6 : i32
    %dma_start3A_127 = arith.constant 0 : i32
    %dma_start3A_128 = tpu.memref_slice %arg8[%dma_start3A_126, %dma_start3A_127] : memref<16x128xi32, #tpu.memory_space<vmem>> -> memref<1x128xi32, #tpu.memory_space<vmem>>
    %dma_start3A_129 = tpu.memref_squeeze %dma_start3A_128 : memref<1x128xi32, #tpu.memory_space<vmem>> -> memref<128xi32, #tpu.memory_space<vmem>>
    %dma_start3A_130 = arith.constant 0 : i32
    %dma_start3A_131 = arith.constant 0 : i32
    %dma_start3A_132 = tpu.memref_slice %arg10[%dma_start3A_130, %dma_start3A_131] : memref<12x128xf32, #tpu.memory_space<vmem_shared>> -> memref<12x128xf32, #tpu.memory_space<vmem_shared>>
    tpu.enqueue_indirect_dma source(%dma_start3A_132 : memref<12x128xf32, #tpu.memory_space<vmem_shared>>) target(%arg13 : memref<128x128xf32, #tpu.memory_space<vmem>>) offsets(%dma_start3A_129 : memref<128xi32, #tpu.memory_space<vmem>>) semaphore(%arg19 : memref<!tpu.dma_semaphore, #tpu.memory_space<semaphore_mem>>)
    %dma_wait3A_133 = arith.constant 4 : i32
    %dma_wait3A_134 = arith.constant 0 : i32
    %dma_wait3A_135 = tpu.memref_slice %arg8[%dma_wait3A_133, %dma_wait3A_134] : memref<16x128xi32, #tpu.memory_space<vmem>> -> memref<1x128xi32, #tpu.memory_space<vmem>>
    %dma_wait3A_136 = tpu.memref_squeeze %dma_wait3A_135 : memref<1x128xi32, #tpu.memory_space<vmem>> -> memref<128xi32, #tpu.memory_space<vmem>>
    %dma_wait3A_137 = arith.constant 0 : i32
    %dma_wait3A_138 = arith.constant 0 : i32
    %dma_wait3A_139 = tpu.memref_slice %arg10[%dma_wait3A_137, %dma_wait3A_138] : memref<12x128xf32, #tpu.memory_space<vmem_shared>> -> memref<12x128xf32, #tpu.memory_space<vmem_shared>>
    tpu.wait_indirect_dma semaphore(%arg20 : memref<!tpu.dma_semaphore, #tpu.memory_space<semaphore_mem>>) src(%dma_wait3A_139 : memref<12x128xf32, #tpu.memory_space<vmem_shared>>) dst(%arg17 : memref<128x128xf32, #tpu.memory_space<vmem>>)
    %add3A_140 = arith.constant 0 : i32
    %add3A_141 = arith.addi %mul3A_2, %add3A_140 : i32
    %dma_start3A_142 = arith.constant 128 : i32
    %dma_start3A_143 = tpu.memref_slice %arg7[%add3A_141, %dma_start3A_142] : memref<16384x512xf32, #tpu.memory_space<hbm>> -> memref<128x128xf32, #tpu.memory_space<hbm>>
    %dma_start3A_144 = arith.constant 128 : i32
    %dma_start3A_145 = tpu.memref_slice %arg7[%add3A_141, %dma_start3A_144] : memref<16384x512xf32, #tpu.memory_space<hbm>> -> memref<128x128xf32, #tpu.memory_space<hbm>>
    tpu.enqueue_dma source(%arg17 : memref<128x128xf32, #tpu.memory_space<vmem>>) target(%dma_start3A_145 : memref<128x128xf32, #tpu.memory_space<hbm>>) target_semaphore(%arg26 : memref<!tpu.dma_semaphore, #tpu.memory_space<semaphore_mem>>)
    %dma_wait3A_146 = arith.constant 0 : i32
    %dma_wait3A_147 = tpu.memref_slice %arg7[%add3A_77, %dma_wait3A_146] : memref<16384x512xf32, #tpu.memory_space<hbm>> -> memref<128x128xf32, #tpu.memory_space<hbm>>
    %dma_wait3A_148 = arith.constant 0 : i32
    %dma_wait3A_149 = tpu.memref_slice %arg7[%add3A_77, %dma_wait3A_148] : memref<16384x512xf32, #tpu.memory_space<hbm>> -> memref<128x128xf32, #tpu.memory_space<hbm>>
    tpu.wait_dma2 semaphore(%arg23 : memref<!tpu.dma_semaphore, #tpu.memory_space<semaphore_mem>>) src(%arg14 : memref<128x128xf32, #tpu.memory_space<vmem>>) dst(%dma_wait3A_149 : memref<128x128xf32, #tpu.memory_space<hbm>>)
    %dma_start3A_150 = arith.constant 7 : i32
    %dma_start3A_151 = arith.constant 0 : i32
    %dma_start3A_152 = tpu.memref_slice %arg8[%dma_start3A_150, %dma_start3A_151] : memref<16x128xi32, #tpu.memory_space<vmem>> -> memref<1x128xi32, #tpu.memory_space<vmem>>
    %dma_start3A_153 = tpu.memref_squeeze %dma_start3A_152 : memref<1x128xi32, #tpu.memory_space<vmem>> -> memref<128xi32, #tpu.memory_space<vmem>>
    %dma_start3A_154 = arith.constant 0 : i32
    %dma_start3A_155 = arith.constant 0 : i32
    %dma_start3A_156 = tpu.memref_slice %arg10[%dma_start3A_154, %dma_start3A_155] : memref<12x128xf32, #tpu.memory_space<vmem_shared>> -> memref<12x128xf32, #tpu.memory_space<vmem_shared>>
    tpu.enqueue_indirect_dma source(%dma_start3A_156 : memref<12x128xf32, #tpu.memory_space<vmem_shared>>) target(%arg14 : memref<128x128xf32, #tpu.memory_space<vmem>>) offsets(%dma_start3A_153 : memref<128xi32, #tpu.memory_space<vmem>>) semaphore(%arg20 : memref<!tpu.dma_semaphore, #tpu.memory_space<semaphore_mem>>)
    %dma_wait3A_157 = arith.constant 5 : i32
    %dma_wait3A_158 = arith.constant 0 : i32
    %dma_wait3A_159 = tpu.memref_slice %arg8[%dma_wait3A_157, %dma_wait3A_158] : memref<16x128xi32, #tpu.memory_space<vmem>> -> memref<1x128xi32, #tpu.memory_space<vmem>>
    %dma_wait3A_160 = tpu.memref_squeeze %dma_wait3A_159 : memref<1x128xi32, #tpu.memory_space<vmem>> -> memref<128xi32, #tpu.memory_space<vmem>>
    %dma_wait3A_161 = arith.constant 0 : i32
    %dma_wait3A_162 = arith.constant 0 : i32
    %dma_wait3A_163 = tpu.memref_slice %arg10[%dma_wait3A_161, %dma_wait3A_162] : memref<12x128xf32, #tpu.memory_space<vmem_shared>> -> memref<12x128xf32, #tpu.memory_space<vmem_shared>>
    tpu.wait_indirect_dma semaphore(%arg21 : memref<!tpu.dma_semaphore, #tpu.memory_space<semaphore_mem>>) src(%dma_wait3A_163 : memref<12x128xf32, #tpu.memory_space<vmem_shared>>) dst(%arg18 : memref<128x128xf32, #tpu.memory_space<vmem>>)
    %add3A_164 = arith.constant 128 : i32
    %add3A_165 = arith.addi %mul3A_2, %add3A_164 : i32
    %dma_start3A_166 = arith.constant 128 : i32
    %dma_start3A_167 = tpu.memref_slice %arg7[%add3A_165, %dma_start3A_166] : memref<16384x512xf32, #tpu.memory_space<hbm>> -> memref<128x128xf32, #tpu.memory_space<hbm>>
    %dma_start3A_168 = arith.constant 128 : i32
    %dma_start3A_169 = tpu.memref_slice %arg7[%add3A_165, %dma_start3A_168] : memref<16384x512xf32, #tpu.memory_space<hbm>> -> memref<128x128xf32, #tpu.memory_space<hbm>>
    tpu.enqueue_dma source(%arg18 : memref<128x128xf32, #tpu.memory_space<vmem>>) target(%dma_start3A_169 : memref<128x128xf32, #tpu.memory_space<hbm>>) target_semaphore(%arg27 : memref<!tpu.dma_semaphore, #tpu.memory_space<semaphore_mem>>)
    %dma_wait3A_170 = arith.constant 0 : i32
    %dma_wait3A_171 = tpu.memref_slice %arg7[%add3A_97, %dma_wait3A_170] : memref<16384x512xf32, #tpu.memory_space<hbm>> -> memref<128x128xf32, #tpu.memory_space<hbm>>
    %dma_wait3A_172 = arith.constant 0 : i32
    %dma_wait3A_173 = tpu.memref_slice %arg7[%add3A_97, %dma_wait3A_172] : memref<16384x512xf32, #tpu.memory_space<hbm>> -> memref<128x128xf32, #tpu.memory_space<hbm>>
    tpu.wait_dma2 semaphore(%arg24 : memref<!tpu.dma_semaphore, #tpu.memory_space<semaphore_mem>>) src(%arg15 : memref<128x128xf32, #tpu.memory_space<vmem>>) dst(%dma_wait3A_173 : memref<128x128xf32, #tpu.memory_space<hbm>>)
    %dma_start3A_174 = arith.constant 8 : i32
    %dma_start3A_175 = arith.constant 0 : i32
    %dma_start3A_176 = tpu.memref_slice %arg8[%dma_start3A_174, %dma_start3A_175] : memref<16x128xi32, #tpu.memory_space<vmem>> -> memref<1x128xi32, #tpu.memory_space<vmem>>
    %dma_start3A_177 = tpu.memref_squeeze %dma_start3A_176 : memref<1x128xi32, #tpu.memory_space<vmem>> -> memref<128xi32, #tpu.memory_space<vmem>>
    %dma_start3A_178 = arith.constant 0 : i32
    %dma_start3A_179 = arith.constant 0 : i32
    %dma_start3A_180 = tpu.memref_slice %arg11[%dma_start3A_178, %dma_start3A_179] : memref<7x128xf32, #tpu.memory_space<vmem_shared>> -> memref<7x128xf32, #tpu.memory_space<vmem_shared>>
    tpu.enqueue_indirect_dma source(%dma_start3A_180 : memref<7x128xf32, #tpu.memory_space<vmem_shared>>) target(%arg15 : memref<128x128xf32, #tpu.memory_space<vmem>>) offsets(%dma_start3A_177 : memref<128xi32, #tpu.memory_space<vmem>>) semaphore(%arg21 : memref<!tpu.dma_semaphore, #tpu.memory_space<semaphore_mem>>)
    %dma_wait3A_181 = arith.constant 6 : i32
    %dma_wait3A_182 = arith.constant 0 : i32
    %dma_wait3A_183 = tpu.memref_slice %arg8[%dma_wait3A_181, %dma_wait3A_182] : memref<16x128xi32, #tpu.memory_space<vmem>> -> memref<1x128xi32, #tpu.memory_space<vmem>>
    %dma_wait3A_184 = tpu.memref_squeeze %dma_wait3A_183 : memref<1x128xi32, #tpu.memory_space<vmem>> -> memref<128xi32, #tpu.memory_space<vmem>>
    %dma_wait3A_185 = arith.constant 0 : i32
    %dma_wait3A_186 = arith.constant 0 : i32
    %dma_wait3A_187 = tpu.memref_slice %arg10[%dma_wait3A_185, %dma_wait3A_186] : memref<12x128xf32, #tpu.memory_space<vmem_shared>> -> memref<12x128xf32, #tpu.memory_space<vmem_shared>>
    tpu.wait_indirect_dma semaphore(%arg19 : memref<!tpu.dma_semaphore, #tpu.memory_space<semaphore_mem>>) src(%dma_wait3A_187 : memref<12x128xf32, #tpu.memory_space<vmem_shared>>) dst(%arg13 : memref<128x128xf32, #tpu.memory_space<vmem>>)
    %add3A_188 = arith.constant 256 : i32
    %add3A_189 = arith.addi %mul3A_2, %add3A_188 : i32
    %dma_start3A_190 = arith.constant 128 : i32
    %dma_start3A_191 = tpu.memref_slice %arg7[%add3A_189, %dma_start3A_190] : memref<16384x512xf32, #tpu.memory_space<hbm>> -> memref<128x128xf32, #tpu.memory_space<hbm>>
    %dma_start3A_192 = arith.constant 128 : i32
    %dma_start3A_193 = tpu.memref_slice %arg7[%add3A_189, %dma_start3A_192] : memref<16384x512xf32, #tpu.memory_space<hbm>> -> memref<128x128xf32, #tpu.memory_space<hbm>>
    tpu.enqueue_dma source(%arg13 : memref<128x128xf32, #tpu.memory_space<vmem>>) target(%dma_start3A_193 : memref<128x128xf32, #tpu.memory_space<hbm>>) target_semaphore(%arg22 : memref<!tpu.dma_semaphore, #tpu.memory_space<semaphore_mem>>)
    %dma_wait3A_194 = arith.constant 0 : i32
    %dma_wait3A_195 = tpu.memref_slice %arg7[%add3A_117, %dma_wait3A_194] : memref<16384x512xf32, #tpu.memory_space<hbm>> -> memref<128x128xf32, #tpu.memory_space<hbm>>
    %dma_wait3A_196 = arith.constant 0 : i32
    %dma_wait3A_197 = tpu.memref_slice %arg7[%add3A_117, %dma_wait3A_196] : memref<16384x512xf32, #tpu.memory_space<hbm>> -> memref<128x128xf32, #tpu.memory_space<hbm>>
    tpu.wait_dma2 semaphore(%arg25 : memref<!tpu.dma_semaphore, #tpu.memory_space<semaphore_mem>>) src(%arg16 : memref<128x128xf32, #tpu.memory_space<vmem>>) dst(%dma_wait3A_197 : memref<128x128xf32, #tpu.memory_space<hbm>>)
    %dma_start3A_198 = arith.constant 9 : i32
    %dma_start3A_199 = arith.constant 0 : i32
    %dma_start3A_200 = tpu.memref_slice %arg8[%dma_start3A_198, %dma_start3A_199] : memref<16x128xi32, #tpu.memory_space<vmem>> -> memref<1x128xi32, #tpu.memory_space<vmem>>
    %dma_start3A_201 = tpu.memref_squeeze %dma_start3A_200 : memref<1x128xi32, #tpu.memory_space<vmem>> -> memref<128xi32, #tpu.memory_space<vmem>>
    %dma_start3A_202 = arith.constant 0 : i32
    %dma_start3A_203 = arith.constant 0 : i32
    %dma_start3A_204 = tpu.memref_slice %arg11[%dma_start3A_202, %dma_start3A_203] : memref<7x128xf32, #tpu.memory_space<vmem_shared>> -> memref<7x128xf32, #tpu.memory_space<vmem_shared>>
    tpu.enqueue_indirect_dma source(%dma_start3A_204 : memref<7x128xf32, #tpu.memory_space<vmem_shared>>) target(%arg16 : memref<128x128xf32, #tpu.memory_space<vmem>>) offsets(%dma_start3A_201 : memref<128xi32, #tpu.memory_space<vmem>>) semaphore(%arg19 : memref<!tpu.dma_semaphore, #tpu.memory_space<semaphore_mem>>)
    %dma_wait3A_205 = arith.constant 7 : i32
    %dma_wait3A_206 = arith.constant 0 : i32
    %dma_wait3A_207 = tpu.memref_slice %arg8[%dma_wait3A_205, %dma_wait3A_206] : memref<16x128xi32, #tpu.memory_space<vmem>> -> memref<1x128xi32, #tpu.memory_space<vmem>>
    %dma_wait3A_208 = tpu.memref_squeeze %dma_wait3A_207 : memref<1x128xi32, #tpu.memory_space<vmem>> -> memref<128xi32, #tpu.memory_space<vmem>>
    %dma_wait3A_209 = arith.constant 0 : i32
    %dma_wait3A_210 = arith.constant 0 : i32
    %dma_wait3A_211 = tpu.memref_slice %arg10[%dma_wait3A_209, %dma_wait3A_210] : memref<12x128xf32, #tpu.memory_space<vmem_shared>> -> memref<12x128xf32, #tpu.memory_space<vmem_shared>>
    tpu.wait_indirect_dma semaphore(%arg20 : memref<!tpu.dma_semaphore, #tpu.memory_space<semaphore_mem>>) src(%dma_wait3A_211 : memref<12x128xf32, #tpu.memory_space<vmem_shared>>) dst(%arg14 : memref<128x128xf32, #tpu.memory_space<vmem>>)
    %add3A_212 = arith.constant 384 : i32
    %add3A_213 = arith.addi %mul3A_2, %add3A_212 : i32
    %dma_start3A_214 = arith.constant 128 : i32
    %dma_start3A_215 = tpu.memref_slice %arg7[%add3A_213, %dma_start3A_214] : memref<16384x512xf32, #tpu.memory_space<hbm>> -> memref<128x128xf32, #tpu.memory_space<hbm>>
    %dma_start3A_216 = arith.constant 128 : i32
    %dma_start3A_217 = tpu.memref_slice %arg7[%add3A_213, %dma_start3A_216] : memref<16384x512xf32, #tpu.memory_space<hbm>> -> memref<128x128xf32, #tpu.memory_space<hbm>>
    tpu.enqueue_dma source(%arg14 : memref<128x128xf32, #tpu.memory_space<vmem>>) target(%dma_start3A_217 : memref<128x128xf32, #tpu.memory_space<hbm>>) target_semaphore(%arg23 : memref<!tpu.dma_semaphore, #tpu.memory_space<semaphore_mem>>)
    %dma_wait3A_218 = arith.constant 128 : i32
    %dma_wait3A_219 = tpu.memref_slice %arg7[%add3A_141, %dma_wait3A_218] : memref<16384x512xf32, #tpu.memory_space<hbm>> -> memref<128x128xf32, #tpu.memory_space<hbm>>
    %dma_wait3A_220 = arith.constant 128 : i32
    %dma_wait3A_221 = tpu.memref_slice %arg7[%add3A_141, %dma_wait3A_220] : memref<16384x512xf32, #tpu.memory_space<hbm>> -> memref<128x128xf32, #tpu.memory_space<hbm>>
    tpu.wait_dma2 semaphore(%arg26 : memref<!tpu.dma_semaphore, #tpu.memory_space<semaphore_mem>>) src(%arg17 : memref<128x128xf32, #tpu.memory_space<vmem>>) dst(%dma_wait3A_221 : memref<128x128xf32, #tpu.memory_space<hbm>>)
    %dma_start3A_222 = arith.constant 10 : i32
    %dma_start3A_223 = arith.constant 0 : i32
    %dma_start3A_224 = tpu.memref_slice %arg8[%dma_start3A_222, %dma_start3A_223] : memref<16x128xi32, #tpu.memory_space<vmem>> -> memref<1x128xi32, #tpu.memory_space<vmem>>
    %dma_start3A_225 = tpu.memref_squeeze %dma_start3A_224 : memref<1x128xi32, #tpu.memory_space<vmem>> -> memref<128xi32, #tpu.memory_space<vmem>>
    %dma_start3A_226 = arith.constant 0 : i32
    %dma_start3A_227 = arith.constant 0 : i32
    %dma_start3A_228 = tpu.memref_slice %arg11[%dma_start3A_226, %dma_start3A_227] : memref<7x128xf32, #tpu.memory_space<vmem_shared>> -> memref<7x128xf32, #tpu.memory_space<vmem_shared>>
    tpu.enqueue_indirect_dma source(%dma_start3A_228 : memref<7x128xf32, #tpu.memory_space<vmem_shared>>) target(%arg17 : memref<128x128xf32, #tpu.memory_space<vmem>>) offsets(%dma_start3A_225 : memref<128xi32, #tpu.memory_space<vmem>>) semaphore(%arg20 : memref<!tpu.dma_semaphore, #tpu.memory_space<semaphore_mem>>)
    %dma_wait3A_229 = arith.constant 8 : i32
    %dma_wait3A_230 = arith.constant 0 : i32
    %dma_wait3A_231 = tpu.memref_slice %arg8[%dma_wait3A_229, %dma_wait3A_230] : memref<16x128xi32, #tpu.memory_space<vmem>> -> memref<1x128xi32, #tpu.memory_space<vmem>>
    %dma_wait3A_232 = tpu.memref_squeeze %dma_wait3A_231 : memref<1x128xi32, #tpu.memory_space<vmem>> -> memref<128xi32, #tpu.memory_space<vmem>>
    %dma_wait3A_233 = arith.constant 0 : i32
    %dma_wait3A_234 = arith.constant 0 : i32
    %dma_wait3A_235 = tpu.memref_slice %arg11[%dma_wait3A_233, %dma_wait3A_234] : memref<7x128xf32, #tpu.memory_space<vmem_shared>> -> memref<7x128xf32, #tpu.memory_space<vmem_shared>>
    tpu.wait_indirect_dma semaphore(%arg21 : memref<!tpu.dma_semaphore, #tpu.memory_space<semaphore_mem>>) src(%dma_wait3A_235 : memref<7x128xf32, #tpu.memory_space<vmem_shared>>) dst(%arg15 : memref<128x128xf32, #tpu.memory_space<vmem>>)
    %add3A_236 = arith.constant 0 : i32
    %add3A_237 = arith.addi %mul3A_2, %add3A_236 : i32
    %dma_start3A_238 = arith.constant 256 : i32
    %dma_start3A_239 = tpu.memref_slice %arg7[%add3A_237, %dma_start3A_238] : memref<16384x512xf32, #tpu.memory_space<hbm>> -> memref<128x128xf32, #tpu.memory_space<hbm>>
    %dma_start3A_240 = arith.constant 256 : i32
    %dma_start3A_241 = tpu.memref_slice %arg7[%add3A_237, %dma_start3A_240] : memref<16384x512xf32, #tpu.memory_space<hbm>> -> memref<128x128xf32, #tpu.memory_space<hbm>>
    tpu.enqueue_dma source(%arg15 : memref<128x128xf32, #tpu.memory_space<vmem>>) target(%dma_start3A_241 : memref<128x128xf32, #tpu.memory_space<hbm>>) target_semaphore(%arg24 : memref<!tpu.dma_semaphore, #tpu.memory_space<semaphore_mem>>)
    %dma_wait3A_242 = arith.constant 128 : i32
    %dma_wait3A_243 = tpu.memref_slice %arg7[%add3A_165, %dma_wait3A_242] : memref<16384x512xf32, #tpu.memory_space<hbm>> -> memref<128x128xf32, #tpu.memory_space<hbm>>
    %dma_wait3A_244 = arith.constant 128 : i32
    %dma_wait3A_245 = tpu.memref_slice %arg7[%add3A_165, %dma_wait3A_244] : memref<16384x512xf32, #tpu.memory_space<hbm>> -> memref<128x128xf32, #tpu.memory_space<hbm>>
    tpu.wait_dma2 semaphore(%arg27 : memref<!tpu.dma_semaphore, #tpu.memory_space<semaphore_mem>>) src(%arg18 : memref<128x128xf32, #tpu.memory_space<vmem>>) dst(%dma_wait3A_245 : memref<128x128xf32, #tpu.memory_space<hbm>>)
    %dma_start3A_246 = arith.constant 11 : i32
    %dma_start3A_247 = arith.constant 0 : i32
    %dma_start3A_248 = tpu.memref_slice %arg8[%dma_start3A_246, %dma_start3A_247] : memref<16x128xi32, #tpu.memory_space<vmem>> -> memref<1x128xi32, #tpu.memory_space<vmem>>
    %dma_start3A_249 = tpu.memref_squeeze %dma_start3A_248 : memref<1x128xi32, #tpu.memory_space<vmem>> -> memref<128xi32, #tpu.memory_space<vmem>>
    %dma_start3A_250 = arith.constant 0 : i32
    %dma_start3A_251 = arith.constant 0 : i32
    %dma_start3A_252 = tpu.memref_slice %arg11[%dma_start3A_250, %dma_start3A_251] : memref<7x128xf32, #tpu.memory_space<vmem_shared>> -> memref<7x128xf32, #tpu.memory_space<vmem_shared>>
    tpu.enqueue_indirect_dma source(%dma_start3A_252 : memref<7x128xf32, #tpu.memory_space<vmem_shared>>) target(%arg18 : memref<128x128xf32, #tpu.memory_space<vmem>>) offsets(%dma_start3A_249 : memref<128xi32, #tpu.memory_space<vmem>>) semaphore(%arg21 : memref<!tpu.dma_semaphore, #tpu.memory_space<semaphore_mem>>)
    %dma_wait3A_253 = arith.constant 9 : i32
    %dma_wait3A_254 = arith.constant 0 : i32
    %dma_wait3A_255 = tpu.memref_slice %arg8[%dma_wait3A_253, %dma_wait3A_254] : memref<16x128xi32, #tpu.memory_space<vmem>> -> memref<1x128xi32, #tpu.memory_space<vmem>>
    %dma_wait3A_256 = tpu.memref_squeeze %dma_wait3A_255 : memref<1x128xi32, #tpu.memory_space<vmem>> -> memref<128xi32, #tpu.memory_space<vmem>>
    %dma_wait3A_257 = arith.constant 0 : i32
    %dma_wait3A_258 = arith.constant 0 : i32
    %dma_wait3A_259 = tpu.memref_slice %arg11[%dma_wait3A_257, %dma_wait3A_258] : memref<7x128xf32, #tpu.memory_space<vmem_shared>> -> memref<7x128xf32, #tpu.memory_space<vmem_shared>>
    tpu.wait_indirect_dma semaphore(%arg19 : memref<!tpu.dma_semaphore, #tpu.memory_space<semaphore_mem>>) src(%dma_wait3A_259 : memref<7x128xf32, #tpu.memory_space<vmem_shared>>) dst(%arg16 : memref<128x128xf32, #tpu.memory_space<vmem>>)
    %add3A_260 = arith.constant 128 : i32
    %add3A_261 = arith.addi %mul3A_2, %add3A_260 : i32
    %dma_start3A_262 = arith.constant 256 : i32
    %dma_start3A_263 = tpu.memref_slice %arg7[%add3A_261, %dma_start3A_262] : memref<16384x512xf32, #tpu.memory_space<hbm>> -> memref<128x128xf32, #tpu.memory_space<hbm>>
    %dma_start3A_264 = arith.constant 256 : i32
    %dma_start3A_265 = tpu.memref_slice %arg7[%add3A_261, %dma_start3A_264] : memref<16384x512xf32, #tpu.memory_space<hbm>> -> memref<128x128xf32, #tpu.memory_space<hbm>>
    tpu.enqueue_dma source(%arg16 : memref<128x128xf32, #tpu.memory_space<vmem>>) target(%dma_start3A_265 : memref<128x128xf32, #tpu.memory_space<hbm>>) target_semaphore(%arg25 : memref<!tpu.dma_semaphore, #tpu.memory_space<semaphore_mem>>)
    %dma_wait3A_266 = arith.constant 128 : i32
    %dma_wait3A_267 = tpu.memref_slice %arg7[%add3A_189, %dma_wait3A_266] : memref<16384x512xf32, #tpu.memory_space<hbm>> -> memref<128x128xf32, #tpu.memory_space<hbm>>
    %dma_wait3A_268 = arith.constant 128 : i32
    %dma_wait3A_269 = tpu.memref_slice %arg7[%add3A_189, %dma_wait3A_268] : memref<16384x512xf32, #tpu.memory_space<hbm>> -> memref<128x128xf32, #tpu.memory_space<hbm>>
    tpu.wait_dma2 semaphore(%arg22 : memref<!tpu.dma_semaphore, #tpu.memory_space<semaphore_mem>>) src(%arg13 : memref<128x128xf32, #tpu.memory_space<vmem>>) dst(%dma_wait3A_269 : memref<128x128xf32, #tpu.memory_space<hbm>>)
    %dma_start3A_270 = arith.constant 12 : i32
    %dma_start3A_271 = arith.constant 0 : i32
    %dma_start3A_272 = tpu.memref_slice %arg8[%dma_start3A_270, %dma_start3A_271] : memref<16x128xi32, #tpu.memory_space<vmem>> -> memref<1x128xi32, #tpu.memory_space<vmem>>
    %dma_start3A_273 = tpu.memref_squeeze %dma_start3A_272 : memref<1x128xi32, #tpu.memory_space<vmem>> -> memref<128xi32, #tpu.memory_space<vmem>>
    %dma_start3A_274 = arith.constant 0 : i32
    %dma_start3A_275 = arith.constant 0 : i32
    %dma_start3A_276 = tpu.memref_slice %arg12[%dma_start3A_274, %dma_start3A_275] : memref<24x128xf32, #tpu.memory_space<vmem_shared>> -> memref<24x128xf32, #tpu.memory_space<vmem_shared>>
    tpu.enqueue_indirect_dma source(%dma_start3A_276 : memref<24x128xf32, #tpu.memory_space<vmem_shared>>) target(%arg13 : memref<128x128xf32, #tpu.memory_space<vmem>>) offsets(%dma_start3A_273 : memref<128xi32, #tpu.memory_space<vmem>>) semaphore(%arg19 : memref<!tpu.dma_semaphore, #tpu.memory_space<semaphore_mem>>)
    %dma_wait3A_277 = arith.constant 10 : i32
    %dma_wait3A_278 = arith.constant 0 : i32
    %dma_wait3A_279 = tpu.memref_slice %arg8[%dma_wait3A_277, %dma_wait3A_278] : memref<16x128xi32, #tpu.memory_space<vmem>> -> memref<1x128xi32, #tpu.memory_space<vmem>>
    %dma_wait3A_280 = tpu.memref_squeeze %dma_wait3A_279 : memref<1x128xi32, #tpu.memory_space<vmem>> -> memref<128xi32, #tpu.memory_space<vmem>>
    %dma_wait3A_281 = arith.constant 0 : i32
    %dma_wait3A_282 = arith.constant 0 : i32
    %dma_wait3A_283 = tpu.memref_slice %arg11[%dma_wait3A_281, %dma_wait3A_282] : memref<7x128xf32, #tpu.memory_space<vmem_shared>> -> memref<7x128xf32, #tpu.memory_space<vmem_shared>>
    tpu.wait_indirect_dma semaphore(%arg20 : memref<!tpu.dma_semaphore, #tpu.memory_space<semaphore_mem>>) src(%dma_wait3A_283 : memref<7x128xf32, #tpu.memory_space<vmem_shared>>) dst(%arg17 : memref<128x128xf32, #tpu.memory_space<vmem>>)
    %add3A_284 = arith.constant 256 : i32
    %add3A_285 = arith.addi %mul3A_2, %add3A_284 : i32
    %dma_start3A_286 = arith.constant 256 : i32
    %dma_start3A_287 = tpu.memref_slice %arg7[%add3A_285, %dma_start3A_286] : memref<16384x512xf32, #tpu.memory_space<hbm>> -> memref<128x128xf32, #tpu.memory_space<hbm>>
    %dma_start3A_288 = arith.constant 256 : i32
    %dma_start3A_289 = tpu.memref_slice %arg7[%add3A_285, %dma_start3A_288] : memref<16384x512xf32, #tpu.memory_space<hbm>> -> memref<128x128xf32, #tpu.memory_space<hbm>>
    tpu.enqueue_dma source(%arg17 : memref<128x128xf32, #tpu.memory_space<vmem>>) target(%dma_start3A_289 : memref<128x128xf32, #tpu.memory_space<hbm>>) target_semaphore(%arg26 : memref<!tpu.dma_semaphore, #tpu.memory_space<semaphore_mem>>)
    %dma_wait3A_290 = arith.constant 128 : i32
    %dma_wait3A_291 = tpu.memref_slice %arg7[%add3A_213, %dma_wait3A_290] : memref<16384x512xf32, #tpu.memory_space<hbm>> -> memref<128x128xf32, #tpu.memory_space<hbm>>
    %dma_wait3A_292 = arith.constant 128 : i32
    %dma_wait3A_293 = tpu.memref_slice %arg7[%add3A_213, %dma_wait3A_292] : memref<16384x512xf32, #tpu.memory_space<hbm>> -> memref<128x128xf32, #tpu.memory_space<hbm>>
    tpu.wait_dma2 semaphore(%arg23 : memref<!tpu.dma_semaphore, #tpu.memory_space<semaphore_mem>>) src(%arg14 : memref<128x128xf32, #tpu.memory_space<vmem>>) dst(%dma_wait3A_293 : memref<128x128xf32, #tpu.memory_space<hbm>>)
    %dma_start3A_294 = arith.constant 13 : i32
    %dma_start3A_295 = arith.constant 0 : i32
    %dma_start3A_296 = tpu.memref_slice %arg8[%dma_start3A_294, %dma_start3A_295] : memref<16x128xi32, #tpu.memory_space<vmem>> -> memref<1x128xi32, #tpu.memory_space<vmem>>
    %dma_start3A_297 = tpu.memref_squeeze %dma_start3A_296 : memref<1x128xi32, #tpu.memory_space<vmem>> -> memref<128xi32, #tpu.memory_space<vmem>>
    %dma_start3A_298 = arith.constant 0 : i32
    %dma_start3A_299 = arith.constant 0 : i32
    %dma_start3A_300 = tpu.memref_slice %arg12[%dma_start3A_298, %dma_start3A_299] : memref<24x128xf32, #tpu.memory_space<vmem_shared>> -> memref<24x128xf32, #tpu.memory_space<vmem_shared>>
    tpu.enqueue_indirect_dma source(%dma_start3A_300 : memref<24x128xf32, #tpu.memory_space<vmem_shared>>) target(%arg14 : memref<128x128xf32, #tpu.memory_space<vmem>>) offsets(%dma_start3A_297 : memref<128xi32, #tpu.memory_space<vmem>>) semaphore(%arg20 : memref<!tpu.dma_semaphore, #tpu.memory_space<semaphore_mem>>)
    %dma_wait3A_301 = arith.constant 11 : i32
    %dma_wait3A_302 = arith.constant 0 : i32
    %dma_wait3A_303 = tpu.memref_slice %arg8[%dma_wait3A_301, %dma_wait3A_302] : memref<16x128xi32, #tpu.memory_space<vmem>> -> memref<1x128xi32, #tpu.memory_space<vmem>>
    %dma_wait3A_304 = tpu.memref_squeeze %dma_wait3A_303 : memref<1x128xi32, #tpu.memory_space<vmem>> -> memref<128xi32, #tpu.memory_space<vmem>>
    %dma_wait3A_305 = arith.constant 0 : i32
    %dma_wait3A_306 = arith.constant 0 : i32
    %dma_wait3A_307 = tpu.memref_slice %arg11[%dma_wait3A_305, %dma_wait3A_306] : memref<7x128xf32, #tpu.memory_space<vmem_shared>> -> memref<7x128xf32, #tpu.memory_space<vmem_shared>>
    tpu.wait_indirect_dma semaphore(%arg21 : memref<!tpu.dma_semaphore, #tpu.memory_space<semaphore_mem>>) src(%dma_wait3A_307 : memref<7x128xf32, #tpu.memory_space<vmem_shared>>) dst(%arg18 : memref<128x128xf32, #tpu.memory_space<vmem>>)
    %add3A_308 = arith.constant 384 : i32
    %add3A_309 = arith.addi %mul3A_2, %add3A_308 : i32
    %dma_start3A_310 = arith.constant 256 : i32
    %dma_start3A_311 = tpu.memref_slice %arg7[%add3A_309, %dma_start3A_310] : memref<16384x512xf32, #tpu.memory_space<hbm>> -> memref<128x128xf32, #tpu.memory_space<hbm>>
    %dma_start3A_312 = arith.constant 256 : i32
    %dma_start3A_313 = tpu.memref_slice %arg7[%add3A_309, %dma_start3A_312] : memref<16384x512xf32, #tpu.memory_space<hbm>> -> memref<128x128xf32, #tpu.memory_space<hbm>>
    tpu.enqueue_dma source(%arg18 : memref<128x128xf32, #tpu.memory_space<vmem>>) target(%dma_start3A_313 : memref<128x128xf32, #tpu.memory_space<hbm>>) target_semaphore(%arg27 : memref<!tpu.dma_semaphore, #tpu.memory_space<semaphore_mem>>)
    %dma_wait3A_314 = arith.constant 256 : i32
    %dma_wait3A_315 = tpu.memref_slice %arg7[%add3A_237, %dma_wait3A_314] : memref<16384x512xf32, #tpu.memory_space<hbm>> -> memref<128x128xf32, #tpu.memory_space<hbm>>
    %dma_wait3A_316 = arith.constant 256 : i32
    %dma_wait3A_317 = tpu.memref_slice %arg7[%add3A_237, %dma_wait3A_316] : memref<16384x512xf32, #tpu.memory_space<hbm>> -> memref<128x128xf32, #tpu.memory_space<hbm>>
    tpu.wait_dma2 semaphore(%arg24 : memref<!tpu.dma_semaphore, #tpu.memory_space<semaphore_mem>>) src(%arg15 : memref<128x128xf32, #tpu.memory_space<vmem>>) dst(%dma_wait3A_317 : memref<128x128xf32, #tpu.memory_space<hbm>>)
    %dma_start3A_318 = arith.constant 14 : i32
    %dma_start3A_319 = arith.constant 0 : i32
    %dma_start3A_320 = tpu.memref_slice %arg8[%dma_start3A_318, %dma_start3A_319] : memref<16x128xi32, #tpu.memory_space<vmem>> -> memref<1x128xi32, #tpu.memory_space<vmem>>
    %dma_start3A_321 = tpu.memref_squeeze %dma_start3A_320 : memref<1x128xi32, #tpu.memory_space<vmem>> -> memref<128xi32, #tpu.memory_space<vmem>>
    %dma_start3A_322 = arith.constant 0 : i32
    %dma_start3A_323 = arith.constant 0 : i32
    %dma_start3A_324 = tpu.memref_slice %arg12[%dma_start3A_322, %dma_start3A_323] : memref<24x128xf32, #tpu.memory_space<vmem_shared>> -> memref<24x128xf32, #tpu.memory_space<vmem_shared>>
    tpu.enqueue_indirect_dma source(%dma_start3A_324 : memref<24x128xf32, #tpu.memory_space<vmem_shared>>) target(%arg15 : memref<128x128xf32, #tpu.memory_space<vmem>>) offsets(%dma_start3A_321 : memref<128xi32, #tpu.memory_space<vmem>>) semaphore(%arg21 : memref<!tpu.dma_semaphore, #tpu.memory_space<semaphore_mem>>)
    %dma_wait3A_325 = arith.constant 12 : i32
    %dma_wait3A_326 = arith.constant 0 : i32
    %dma_wait3A_327 = tpu.memref_slice %arg8[%dma_wait3A_325, %dma_wait3A_326] : memref<16x128xi32, #tpu.memory_space<vmem>> -> memref<1x128xi32, #tpu.memory_space<vmem>>
    %dma_wait3A_328 = tpu.memref_squeeze %dma_wait3A_327 : memref<1x128xi32, #tpu.memory_space<vmem>> -> memref<128xi32, #tpu.memory_space<vmem>>
    %dma_wait3A_329 = arith.constant 0 : i32
    %dma_wait3A_330 = arith.constant 0 : i32
    %dma_wait3A_331 = tpu.memref_slice %arg12[%dma_wait3A_329, %dma_wait3A_330] : memref<24x128xf32, #tpu.memory_space<vmem_shared>> -> memref<24x128xf32, #tpu.memory_space<vmem_shared>>
    tpu.wait_indirect_dma semaphore(%arg19 : memref<!tpu.dma_semaphore, #tpu.memory_space<semaphore_mem>>) src(%dma_wait3A_331 : memref<24x128xf32, #tpu.memory_space<vmem_shared>>) dst(%arg13 : memref<128x128xf32, #tpu.memory_space<vmem>>)
    %add3A_332 = arith.constant 0 : i32
    %add3A_333 = arith.addi %mul3A_2, %add3A_332 : i32
    %dma_start3A_334 = arith.constant 384 : i32
    %dma_start3A_335 = tpu.memref_slice %arg7[%add3A_333, %dma_start3A_334] : memref<16384x512xf32, #tpu.memory_space<hbm>> -> memref<128x128xf32, #tpu.memory_space<hbm>>
    %dma_start3A_336 = arith.constant 384 : i32
    %dma_start3A_337 = tpu.memref_slice %arg7[%add3A_333, %dma_start3A_336] : memref<16384x512xf32, #tpu.memory_space<hbm>> -> memref<128x128xf32, #tpu.memory_space<hbm>>
    tpu.enqueue_dma source(%arg13 : memref<128x128xf32, #tpu.memory_space<vmem>>) target(%dma_start3A_337 : memref<128x128xf32, #tpu.memory_space<hbm>>) target_semaphore(%arg22 : memref<!tpu.dma_semaphore, #tpu.memory_space<semaphore_mem>>)
    %dma_wait3A_338 = arith.constant 256 : i32
    %dma_wait3A_339 = tpu.memref_slice %arg7[%add3A_261, %dma_wait3A_338] : memref<16384x512xf32, #tpu.memory_space<hbm>> -> memref<128x128xf32, #tpu.memory_space<hbm>>
    %dma_wait3A_340 = arith.constant 256 : i32
    %dma_wait3A_341 = tpu.memref_slice %arg7[%add3A_261, %dma_wait3A_340] : memref<16384x512xf32, #tpu.memory_space<hbm>> -> memref<128x128xf32, #tpu.memory_space<hbm>>
    tpu.wait_dma2 semaphore(%arg25 : memref<!tpu.dma_semaphore, #tpu.memory_space<semaphore_mem>>) src(%arg16 : memref<128x128xf32, #tpu.memory_space<vmem>>) dst(%dma_wait3A_341 : memref<128x128xf32, #tpu.memory_space<hbm>>)
    %dma_start3A_342 = arith.constant 15 : i32
    %dma_start3A_343 = arith.constant 0 : i32
    %dma_start3A_344 = tpu.memref_slice %arg8[%dma_start3A_342, %dma_start3A_343] : memref<16x128xi32, #tpu.memory_space<vmem>> -> memref<1x128xi32, #tpu.memory_space<vmem>>
    %dma_start3A_345 = tpu.memref_squeeze %dma_start3A_344 : memref<1x128xi32, #tpu.memory_space<vmem>> -> memref<128xi32, #tpu.memory_space<vmem>>
    %dma_start3A_346 = arith.constant 0 : i32
    %dma_start3A_347 = arith.constant 0 : i32
    %dma_start3A_348 = tpu.memref_slice %arg12[%dma_start3A_346, %dma_start3A_347] : memref<24x128xf32, #tpu.memory_space<vmem_shared>> -> memref<24x128xf32, #tpu.memory_space<vmem_shared>>
    tpu.enqueue_indirect_dma source(%dma_start3A_348 : memref<24x128xf32, #tpu.memory_space<vmem_shared>>) target(%arg16 : memref<128x128xf32, #tpu.memory_space<vmem>>) offsets(%dma_start3A_345 : memref<128xi32, #tpu.memory_space<vmem>>) semaphore(%arg19 : memref<!tpu.dma_semaphore, #tpu.memory_space<semaphore_mem>>)
    %dma_wait3A_349 = arith.constant 13 : i32
    %dma_wait3A_350 = arith.constant 0 : i32
    %dma_wait3A_351 = tpu.memref_slice %arg8[%dma_wait3A_349, %dma_wait3A_350] : memref<16x128xi32, #tpu.memory_space<vmem>> -> memref<1x128xi32, #tpu.memory_space<vmem>>
    %dma_wait3A_352 = tpu.memref_squeeze %dma_wait3A_351 : memref<1x128xi32, #tpu.memory_space<vmem>> -> memref<128xi32, #tpu.memory_space<vmem>>
    %dma_wait3A_353 = arith.constant 0 : i32
    %dma_wait3A_354 = arith.constant 0 : i32
    %dma_wait3A_355 = tpu.memref_slice %arg12[%dma_wait3A_353, %dma_wait3A_354] : memref<24x128xf32, #tpu.memory_space<vmem_shared>> -> memref<24x128xf32, #tpu.memory_space<vmem_shared>>
    tpu.wait_indirect_dma semaphore(%arg20 : memref<!tpu.dma_semaphore, #tpu.memory_space<semaphore_mem>>) src(%dma_wait3A_355 : memref<24x128xf32, #tpu.memory_space<vmem_shared>>) dst(%arg14 : memref<128x128xf32, #tpu.memory_space<vmem>>)
    %add3A_356 = arith.constant 128 : i32
    %add3A_357 = arith.addi %mul3A_2, %add3A_356 : i32
    %dma_start3A_358 = arith.constant 384 : i32
    %dma_start3A_359 = tpu.memref_slice %arg7[%add3A_357, %dma_start3A_358] : memref<16384x512xf32, #tpu.memory_space<hbm>> -> memref<128x128xf32, #tpu.memory_space<hbm>>
    %dma_start3A_360 = arith.constant 384 : i32
    %dma_start3A_361 = tpu.memref_slice %arg7[%add3A_357, %dma_start3A_360] : memref<16384x512xf32, #tpu.memory_space<hbm>> -> memref<128x128xf32, #tpu.memory_space<hbm>>
    tpu.enqueue_dma source(%arg14 : memref<128x128xf32, #tpu.memory_space<vmem>>) target(%dma_start3A_361 : memref<128x128xf32, #tpu.memory_space<hbm>>) target_semaphore(%arg23 : memref<!tpu.dma_semaphore, #tpu.memory_space<semaphore_mem>>)
    %dma_wait3A_362 = arith.constant 14 : i32
    %dma_wait3A_363 = arith.constant 0 : i32
    %dma_wait3A_364 = tpu.memref_slice %arg8[%dma_wait3A_362, %dma_wait3A_363] : memref<16x128xi32, #tpu.memory_space<vmem>> -> memref<1x128xi32, #tpu.memory_space<vmem>>
    %dma_wait3A_365 = tpu.memref_squeeze %dma_wait3A_364 : memref<1x128xi32, #tpu.memory_space<vmem>> -> memref<128xi32, #tpu.memory_space<vmem>>
    %dma_wait3A_366 = arith.constant 0 : i32
    %dma_wait3A_367 = arith.constant 0 : i32
    %dma_wait3A_368 = tpu.memref_slice %arg12[%dma_wait3A_366, %dma_wait3A_367] : memref<24x128xf32, #tpu.memory_space<vmem_shared>> -> memref<24x128xf32, #tpu.memory_space<vmem_shared>>
    tpu.wait_indirect_dma semaphore(%arg21 : memref<!tpu.dma_semaphore, #tpu.memory_space<semaphore_mem>>) src(%dma_wait3A_368 : memref<24x128xf32, #tpu.memory_space<vmem_shared>>) dst(%arg15 : memref<128x128xf32, #tpu.memory_space<vmem>>)
    %add3A_369 = arith.constant 256 : i32
    %add3A_370 = arith.addi %mul3A_2, %add3A_369 : i32
    %dma_start3A_371 = arith.constant 384 : i32
    %dma_start3A_372 = tpu.memref_slice %arg7[%add3A_370, %dma_start3A_371] : memref<16384x512xf32, #tpu.memory_space<hbm>> -> memref<128x128xf32, #tpu.memory_space<hbm>>
    %dma_start3A_373 = arith.constant 384 : i32
    %dma_start3A_374 = tpu.memref_slice %arg7[%add3A_370, %dma_start3A_373] : memref<16384x512xf32, #tpu.memory_space<hbm>> -> memref<128x128xf32, #tpu.memory_space<hbm>>
    tpu.enqueue_dma source(%arg15 : memref<128x128xf32, #tpu.memory_space<vmem>>) target(%dma_start3A_374 : memref<128x128xf32, #tpu.memory_space<hbm>>) target_semaphore(%arg24 : memref<!tpu.dma_semaphore, #tpu.memory_space<semaphore_mem>>)
    %dma_wait3A_375 = arith.constant 15 : i32
    %dma_wait3A_376 = arith.constant 0 : i32
    %dma_wait3A_377 = tpu.memref_slice %arg8[%dma_wait3A_375, %dma_wait3A_376] : memref<16x128xi32, #tpu.memory_space<vmem>> -> memref<1x128xi32, #tpu.memory_space<vmem>>
    %dma_wait3A_378 = tpu.memref_squeeze %dma_wait3A_377 : memref<1x128xi32, #tpu.memory_space<vmem>> -> memref<128xi32, #tpu.memory_space<vmem>>
    %dma_wait3A_379 = arith.constant 0 : i32
    %dma_wait3A_380 = arith.constant 0 : i32
    %dma_wait3A_381 = tpu.memref_slice %arg12[%dma_wait3A_379, %dma_wait3A_380] : memref<24x128xf32, #tpu.memory_space<vmem_shared>> -> memref<24x128xf32, #tpu.memory_space<vmem_shared>>
    tpu.wait_indirect_dma semaphore(%arg19 : memref<!tpu.dma_semaphore, #tpu.memory_space<semaphore_mem>>) src(%dma_wait3A_381 : memref<24x128xf32, #tpu.memory_space<vmem_shared>>) dst(%arg16 : memref<128x128xf32, #tpu.memory_space<vmem>>)
    %add3A_382 = arith.constant 384 : i32
    %add3A_383 = arith.addi %mul3A_2, %add3A_382 : i32
    %dma_start3A_384 = arith.constant 384 : i32
    %dma_start3A_385 = tpu.memref_slice %arg7[%add3A_383, %dma_start3A_384] : memref<16384x512xf32, #tpu.memory_space<hbm>> -> memref<128x128xf32, #tpu.memory_space<hbm>>
    %dma_start3A_386 = arith.constant 384 : i32
    %dma_start3A_387 = tpu.memref_slice %arg7[%add3A_383, %dma_start3A_386] : memref<16384x512xf32, #tpu.memory_space<hbm>> -> memref<128x128xf32, #tpu.memory_space<hbm>>
    tpu.enqueue_dma source(%arg16 : memref<128x128xf32, #tpu.memory_space<vmem>>) target(%dma_start3A_387 : memref<128x128xf32, #tpu.memory_space<hbm>>) target_semaphore(%arg25 : memref<!tpu.dma_semaphore, #tpu.memory_space<semaphore_mem>>)
    %dma_wait3A_388 = arith.constant 384 : i32
    %dma_wait3A_389 = tpu.memref_slice %arg7[%add3A_333, %dma_wait3A_388] : memref<16384x512xf32, #tpu.memory_space<hbm>> -> memref<128x128xf32, #tpu.memory_space<hbm>>
    %dma_wait3A_390 = arith.constant 384 : i32
    %dma_wait3A_391 = tpu.memref_slice %arg7[%add3A_333, %dma_wait3A_390] : memref<16384x512xf32, #tpu.memory_space<hbm>> -> memref<128x128xf32, #tpu.memory_space<hbm>>
    tpu.wait_dma2 semaphore(%arg22 : memref<!tpu.dma_semaphore, #tpu.memory_space<semaphore_mem>>) src(%arg13 : memref<128x128xf32, #tpu.memory_space<vmem>>) dst(%dma_wait3A_391 : memref<128x128xf32, #tpu.memory_space<hbm>>)
    %dma_wait3A_392 = arith.constant 384 : i32
    %dma_wait3A_393 = tpu.memref_slice %arg7[%add3A_357, %dma_wait3A_392] : memref<16384x512xf32, #tpu.memory_space<hbm>> -> memref<128x128xf32, #tpu.memory_space<hbm>>
    %dma_wait3A_394 = arith.constant 384 : i32
    %dma_wait3A_395 = tpu.memref_slice %arg7[%add3A_357, %dma_wait3A_394] : memref<16384x512xf32, #tpu.memory_space<hbm>> -> memref<128x128xf32, #tpu.memory_space<hbm>>
    tpu.wait_dma2 semaphore(%arg23 : memref<!tpu.dma_semaphore, #tpu.memory_space<semaphore_mem>>) src(%arg14 : memref<128x128xf32, #tpu.memory_space<vmem>>) dst(%dma_wait3A_395 : memref<128x128xf32, #tpu.memory_space<hbm>>)
    %dma_wait3A_396 = arith.constant 384 : i32
    %dma_wait3A_397 = tpu.memref_slice %arg7[%add3A_370, %dma_wait3A_396] : memref<16384x512xf32, #tpu.memory_space<hbm>> -> memref<128x128xf32, #tpu.memory_space<hbm>>
    %dma_wait3A_398 = arith.constant 384 : i32
    %dma_wait3A_399 = tpu.memref_slice %arg7[%add3A_370, %dma_wait3A_398] : memref<16384x512xf32, #tpu.memory_space<hbm>> -> memref<128x128xf32, #tpu.memory_space<hbm>>
    tpu.wait_dma2 semaphore(%arg24 : memref<!tpu.dma_semaphore, #tpu.memory_space<semaphore_mem>>) src(%arg15 : memref<128x128xf32, #tpu.memory_space<vmem>>) dst(%dma_wait3A_399 : memref<128x128xf32, #tpu.memory_space<hbm>>)
    %dma_wait3A_400 = arith.constant 384 : i32
    %dma_wait3A_401 = tpu.memref_slice %arg7[%add3A_383, %dma_wait3A_400] : memref<16384x512xf32, #tpu.memory_space<hbm>> -> memref<128x128xf32, #tpu.memory_space<hbm>>
    %dma_wait3A_402 = arith.constant 384 : i32
    %dma_wait3A_403 = tpu.memref_slice %arg7[%add3A_383, %dma_wait3A_402] : memref<16384x512xf32, #tpu.memory_space<hbm>> -> memref<128x128xf32, #tpu.memory_space<hbm>>
    tpu.wait_dma2 semaphore(%arg25 : memref<!tpu.dma_semaphore, #tpu.memory_space<semaphore_mem>>) src(%arg16 : memref<128x128xf32, #tpu.memory_space<vmem>>) dst(%dma_wait3A_403 : memref<128x128xf32, #tpu.memory_space<hbm>>)
    %dma_wait3A_404 = arith.constant 256 : i32
    %dma_wait3A_405 = tpu.memref_slice %arg7[%add3A_285, %dma_wait3A_404] : memref<16384x512xf32, #tpu.memory_space<hbm>> -> memref<128x128xf32, #tpu.memory_space<hbm>>
    %dma_wait3A_406 = arith.constant 256 : i32
    %dma_wait3A_407 = tpu.memref_slice %arg7[%add3A_285, %dma_wait3A_406] : memref<16384x512xf32, #tpu.memory_space<hbm>> -> memref<128x128xf32, #tpu.memory_space<hbm>>
    tpu.wait_dma2 semaphore(%arg26 : memref<!tpu.dma_semaphore, #tpu.memory_space<semaphore_mem>>) src(%arg17 : memref<128x128xf32, #tpu.memory_space<vmem>>) dst(%dma_wait3A_407 : memref<128x128xf32, #tpu.memory_space<hbm>>)
    %dma_wait3A_408 = arith.constant 256 : i32
    %dma_wait3A_409 = tpu.memref_slice %arg7[%add3A_309, %dma_wait3A_408] : memref<16384x512xf32, #tpu.memory_space<hbm>> -> memref<128x128xf32, #tpu.memory_space<hbm>>
    %dma_wait3A_410 = arith.constant 256 : i32
    %dma_wait3A_411 = tpu.memref_slice %arg7[%add3A_309, %dma_wait3A_410] : memref<16384x512xf32, #tpu.memory_space<hbm>> -> memref<128x128xf32, #tpu.memory_space<hbm>>
    tpu.wait_dma2 semaphore(%arg27 : memref<!tpu.dma_semaphore, #tpu.memory_space<semaphore_mem>>) src(%arg18 : memref<128x128xf32, #tpu.memory_space<vmem>>) dst(%dma_wait3A_411 : memref<128x128xf32, #tpu.memory_space<hbm>>)
    return
  }
}

</mosaic_0001>

<sc_bundles>
// kernel: kernel.3.cloned.1.call-start
scs
__scs_entry_jumppad:
0x0: {  	(pc) =	sbr.rel $0x88, $3  }
0x1: {  	(tag) =	ssettag $0x0;
	lr =	simm.s32 $0x1  }
0x2: {  	[smem:$0x3F9C] =	sst lr;
	_ =	strace $0xD0000000  }
0x3: {  	_ = 	snop  }
0x4: {  	_ = 	snop  }
0x5: {  	_ = 	snop  }
0x6: {  	_ = 	snop  }
0x7: {  	_ = 	snop  }
__scs_overlays_trampoline_lowered:
0x8: {  	[smem:$0x3FAB] =	sst s0  }
0x9: {  	[smem:$0x3FAC] =	sst s1  }
0xa: {  	[smem:$0x3FAD] =	sst s2  }
0xb: {  	[smem:$0x3FAE] =	sst s3  }
0xc: {  	[smem:$0x3FAF] =	sst s4  }
0xd: {  	[smem:$0x3FB0] =	sst s5  }
0xe: {  	[smem:$0x3FB1] =	sst s6  }
0xf: {  	[smem:$0x3FB2] =	sst s7  }
0x10: {  	[smem:$0x3FB3] =	sst s8  }
0x11: {  	[smem:$0x3FB4] =	sst s9;
	s0 =	simm.s32 @!p0 $0x0  }
0x12: {  	s1 =	sld [smem:$0x3F9A];
	s0 =	simm.s32 @p0 $0x1  }
0x13: {  	[smem:$0x3FB5] =	sst s0;
	s0 =	simm.s32 @!p1 $0x0  }
0x14: {  	s2 =	sld [smem:$0x3F99];
	s0 =	simm.s32 @p1 $0x1  }
0x15: {  	[smem:$0x3FB6] =	sst s0;
	s0 =	simm.s32 @!p2 $0x0  }
0x16: {  	s3 =	sld [smem:$0x3FDB];
	s0 =	simm.s32 @p2 $0x1  }
0x17: {  	s4 =	simm.s32 $0x1BF5;
	[smem:$0x3FB8] =	sst s0  }
0x18: {  	s0 =	sld [smem:$0x3F9B];
	_ =	swait.ge [sflag:s4], $0x0  }
0x19: {  	s7 =	sld [smem:$0x3F9C]  }
0x1a: {  	s8 =	sadd.s32 $0xFFFFE003, lr  }
0x1b: {  	s9 =	sadd.s32 $0xFFFFFEF7, lr;
	s5 =	simm.s32 $0xFFFFFFFF;
	p2 =	slt.u32 s8, $0xFFFFF086  }
0x1c: {  	p1 =	slt.u32 s9, $0xF7A;
	s5 =	simm.s32 @!p2 $0x0  }
0x1d: {  	s5 =	simm.s32 @p1 $0x1;
	p0 =	seq.s32 s7, s2  }
0x1e: {  	s7 =	smul.u32 @!p0 $0xF7A, s2;
	p2 =	seq.s32 @!p0 s5, $0x0  }
0x1f: {  	s9 =	smul.u32 $0xF7A, s1;
	s8 =	simm.s32 @!p0 $0x1BF5;
	p2 =	por !p2, p0  }
0x20: {  	[sflag:s8] =	ssyncset.s32 @!p0 $0xFFFFF086;
	s6 =	sadd.s32 @!p0 s3, s7;
	s7 =	simm.s32 @!p0 $0x108  }
0x21: {  	s3 =	sadd.s32 s3, s9;
	s6 =	sadd.s32 @!p0 $0x88, s6;
	s7 =	simm.s32 @p2 $0x1082  }
0x22: {  	[simem:s7], [sflag:s8] =	dma.local @!p0 [hbm:s6], $0xF7A  }
0x23: {  	s9 =	sor.u32 $0xD0000000, s2;
	s6 =	simm.s32 $0x108;
	_ =	swait.ge @!p0 [sflag:s8], $0x0  }
0x24: {  	s3 =	sadd.s32 $0x88, s3;
	s6 =	simm.s32 @!p1 $0x1082;
	[sflag:s4] =	ssyncset.s32 $0xFFFFF086  }
0x25: {  	[simem:s6], [sflag:s4] =	dma.local [hbm:s3], $0xF7A  }
0x26: {  	[smem:$0x3F9C] =	sst s1;
	(tag) =	ssettag s2;
	_ =	strace s9  }
0x27: {  	s1 =	sld [smem:$0x3FAC]  }
0x28: {  	s2 =	sld [smem:$0x3FAD]  }
0x29: {  	s4 =	sld [smem:$0x3FAF]  }
0x2a: {  	p0 =	seq.s32 s5, $0x0;
	s5 =	sld [smem:$0x3FB0]  }
0x2b: {  	s6 =	sld [smem:$0x3FB1]  }
0x2c: {  	s7 =	sld [smem:$0x3FB2]  }
0x2d: {  	s3 =	simm.s32 $0x108;
	s8 =	sld [smem:$0x3FB3]  }
0x2e: {  	s3 =	simm.s32 @!p0 $0x1082;
	s9 =	sld [smem:$0x3FB4]  }
0x2f: {  	lr =	sadd.s32 s0, s3;
	s0 =	sld [smem:$0x3FAB]  }
0x30: {  	s3 =	sld [smem:$0x3FAE]  }
0x31: {  	[smem:$0x3FB7] =	sst s10  }
0x32: {  	s10 =	sld [smem:$0x3FB5];
	_ =	sdelay $0x3  }
0x33: {  	p0 =	seq.s32 s10, $0x1;
	s10 =	sld [smem:$0x3FB7];
	_ =	sdelay $0x3  }
0x34: {  	[smem:$0x3FB7] =	sst s10  }
0x35: {  	s10 =	sld [smem:$0x3FB6];
	_ =	sdelay $0x3  }
0x36: {  	p1 =	seq.s32 s10, $0x1;
	s10 =	sld [smem:$0x3FB7];
	_ =	sdelay $0x3  }
0x37: {  	[smem:$0x3FB7] =	sst s10  }
0x38: {  	s10 =	sld [smem:$0x3FB8]  }
0x39: {  	_ = 	snop;
	(pc) =	sbr.ind lr, $3  }
0x3a: {  	_ = 	snop  }
0x3b: {  	_ = 	snop  }
0x3c: {  	p2 =	seq.s32 s10, $0x1;
	s10 =	sld [smem:$0x3FB7]  }
0x3d: {  	_ =	shalt  }
0x3e: {  	_ =	shalt  }
0x3f: {  	_ =	shalt  }
0x40: {  	_ =	shalt  }
0x41: {  	_ =	shalt  }
0x42: {  	_ =	shalt  }
0x43: {  	_ =	shalt  }
0x44: {  	_ =	shalt  }
0x45: {  	_ =	shalt  }
0x46: {  	_ =	shalt  }
0x47: {  	_ =	shalt  }
0x48: {  	_ =	shalt  }
0x49: {  	_ =	shalt  }
0x4a: {  	_ =	shalt  }
0x4b: {  	_ =	shalt  }
0x4c: {  	_ =	shalt  }
0x4d: {  	_ =	shalt  }
0x4e: {  	_ =	shalt  }
0x4f: {  	_ =	shalt  }
0x50: {  	_ =	shalt  }
0x51: {  	_ =	shalt  }
0x52: {  	_ =	shalt  }
0x53: {  	_ =	shalt  }
0x54: {  	_ =	shalt  }
0x55: {  	_ =	shalt  }
0x56: {  	_ =	shalt  }
0x57: {  	_ =	shalt  }
0x58: {  	_ =	shalt  }
0x59: {  	_ =	shalt  }
0x5a: {  	_ =	shalt  }
0x5b: {  	_ =	shalt  }
0x5c: {  	_ =	shalt  }
0x5d: {  	_ =	shalt  }
0x5e: {  	_ =	shalt  }
0x5f: {  	_ =	shalt  }
0x60: {  	_ =	shalt  }
0x61: {  	_ =	shalt  }
0x62: {  	_ =	shalt  }
0x63: {  	_ =	shalt  }
0x64: {  	_ =	shalt  }
0x65: {  	_ =	shalt  }
0x66: {  	_ =	shalt  }
0x67: {  	_ =	shalt  }
0x68: {  	_ =	shalt  }
0x69: {  	_ =	shalt  }
0x6a: {  	_ =	shalt  }
0x6b: {  	_ =	shalt  }
0x6c: {  	_ =	shalt  }
0x6d: {  	_ =	shalt  }
0x6e: {  	_ =	shalt  }
0x6f: {  	_ =	shalt  }
0x70: {  	_ =	shalt  }
0x71: {  	_ =	shalt  }
0x72: {  	_ =	shalt  }
0x73: {  	_ =	shalt  }
0x74: {  	_ =	shalt  }
0x75: {  	_ =	shalt  }
0x76: {  	_ =	shalt  }
0x77: {  	_ =	shalt  }
0x78: {  	_ =	shalt  }
0x79: {  	_ =	shalt  }
0x7a: {  	_ =	shalt  }
0x7b: {  	_ =	shalt  }
0x7c: {  	_ =	shalt  }
0x7d: {  	_ =	shalt  }
0x7e: {  	_ =	shalt  }
0x7f: {  	_ =	shalt  }
0x80: {  	_ =	shalt  }
0x81: {  	_ =	shalt  }
0x82: {  	_ =	shalt  }
0x83: {  	_ =	shalt  }
0x84: {  	_ =	shalt  }
0x85: {  	_ =	shalt  }
0x86: {  	_ =	shalt  }
0x87: {  	_ =	shalt  }
.Lfunc_end0:
.L_simem_size_0:
called_computation_lowered:
.L_overlay_start_0:
0x88: {  	s2 =	sld [smem:$0x3FD9]  }
0x89: {  	s3 =	sld [smem:$0x3FFE];
	_ =	sdelay $0x1  }
0x8a: {  	s1 =	srdreg.scid  }
0x8b: {  	s0 =	sand.u32 $0x1, s1  }
0x8c: {  	s17 =	sshll.u32 s0, $0xA;
	s2 =	sadd.s32 s3, s2  }
0x8d: {  	s2 =	sadd.s32 s2, s17  }
0x8e: {  	[smem:$0x3FC3] =	sst s2  }
0x8f: {  	_ = 	snop  }
0x90: {  	s2 =	sld [smem:$0x3FC8]  }
0x91: {  	s18 =	sld [smem:$0x3FC7]  }
0x92: {  	s4 =	sld [smem:$0x3FC6]  }
0x93: {  	s5 =	sld [smem:$0x3FC5]  }
0x94: {  	s6 =	sld [smem:$0x3FD0];
	(tm) =	ssettm $0x1  }
0x95: {  	s7 =	sld [smem:$0x3FFB];
	_ =	sdelay $0x3  }
0x96: {  	_ =	strace s7  }
0x97: {  	s7 =	sld [smem:$0x3FFC];
	_ =	sdelay $0x3  }
0x98: {  	_ =	strace s7  }
0x99: {  	s7 =	sld [smem:$0x3FFD];
	_ =	sdelay $0x3  }
0x9a: {  	_ =	strace s7  }
0x9b: {  	_ =	strace $0x8FFFFFFF  }
0x9c: {  	s19 =	sld [smem:$0x3FDB];
	_ =	sdelay $0x1  }
0x9d: {  	s8 =	simm.s32 $_scs_section_size  }
0x9e: {  	s9 =	simm.s32 $_size__tile_overlayer_lowered;
	s10 =	simm.s32 $_tile_overlayer_lowered  }
0x9f: {  	s22 =	simm.s32 $0x1BFF;
	s21 =	sshll.u32 s10, $0x1;
	s7 =	sadd.s32 s8, s19  }
0xa0: {  	s11 =	simm.s32 $0x0;
	s20 =	sshll.u32 s9, $0x1;
	s9 =	sadd.s32 s21, s7  }
0xa1: {  	[timem:s11], [sflag:s22] =	dma.local [hbm:s9], s20  }
0xa2: {  	_ =	swait.ge [sflag:s22], s20  }
0xa3: {  	s8 =	ssub.s32 $0x0, s20;
	[sflag:s22] =	ssyncset.done $0x0  }
0xa4: {  	[sflag:s22] =	ssyncadd.s32 s8;
	_ =	sdelay $0x1  }
0xa5: {  	s23 =	simm.s32 $0x1B8B  }
0xa6: {  	_ =	swait.ge [sflag:s23], $0x1  }
0xa7: {  	[sflag:s23] =	ssyncset.done $0x0  }
0xa8: {  	s25 =	simm.s32 $0x1B8E;
	s24 =	sld [smem:$0x3FFE];
	[sflag:s23] =	ssyncadd.s32 $0xFFFFFFFF  }
0xa9: {  	s26 =	simm.s32 $execute0_lowered;
	[smem:$0x3FD2] =	sst s25  }
0xaa: {  	s9 =	sshll.u32 s26, $0x1;
	_ =	strace $0x80000046;
	[dreg:$0x1] =	wrdreg $0xFFFFFFFF  }
0xab: {  	s28 =	simm.s32 $_size_execute0_lowered;
	s7 =	sadd.s32 s7, s9;
	[dreg:$0x0] =	wrdreg $0x0  }
0xac: {  	s9 =	sshll.u32 s28, $0x1;
	[dreg:$0x2] =	wrdreg s7  }
0xad: {  	[dreg:$0x3] =	wrdreg s9  }
0xae: {  	[dreg:$0x4] =	wrdreg $0xC0  }
0xaf: {  	_ =	task [dreg:s11], $0x5FFFF  }
0xb0: {  	[dreg:$0x1] =	wrdreg $0xFFFFFFFF  }
0xb1: {  	[dreg:$0x0] =	wrdreg $0x60  }
0xb2: {  	[dreg:$0x2] =	wrdreg s24  }
0xb3: {  	[dreg:$0x3] =	wrdreg s2  }
0xb4: {  	[dreg:$0x4] =	wrdreg s18  }
0xb5: {  	[dreg:$0x5] =	wrdreg s4  }
0xb6: {  	[dreg:$0x6] =	wrdreg s5  }
0xb7: {  	[dreg:$0x7] =	wrdreg s6  }
0xb8: {  	[dreg:$0x8] =	wrdreg $0x8000  }
0xb9: {  	[dreg:$0x9] =	wrdreg $0x8200  }
0xba: {  	[dreg:$0xa] =	wrdreg $0x8800  }
0xbb: {  	[dreg:$0xb] =	wrdreg $0x8B80  }
0xbc: {  	[dreg:$0xc] =	wrdreg $0x9  }
0xbd: {  	_ =	task.clear_ibuf [dreg:s11], $0xDFFFF;
	_ =	strace $0x90000046  }
0xbe: {  	s29 =	simm.s32 $0x9;
	_ =	strace $0x80000048  }
0xbf: {  	_ =	swait.ge [sflag:s29], $0x1  }
0xc0: {  	[sflag:s29] =	ssyncadd.s32 $0xFFFFFFFF  }
0xc1: {  	_ =	strace $0x90000048  }
0xc2: {  	_ =	sfence  }
0xc3: {  	s30 =	sld [smem:$0x0];
	_ =	sdelay $0x2  }
0xc4: {  	s31 =	sshll.u32 s1, $0xD;
	s1 =	sshrl.u32 s1, $0x2  }
0xc5: {  	s3 =	sand.u32 $0x4000, s31;
	s1 =	sadd.s32 s1, s30  }
0xc6: {  	s0 =	sor.u32 s3, s0;
	s1 =	sshll.u32 s1, $0x11  }
0xc7: {  	s0 =	sor.u32 s1, s0  }
0xc8: {  	s0 =	sadd.s32 $0x8F2B, s0  }
0xc9: {  	[sflag:s0] =	ssyncadd.remote.s32 $0x1  }
0xca: {  	_ =	sfence.sel $0xFFFF  }
0xcb: {  	[dreg:$0x0] =	wrdreg $0xFFFFFFFF;
	(pc) =	sbr.abs _section_cstart, $3  }
0xcc: {  	[dreg:$0x1] =	wrdreg $0xFFFFFFFF  }
0xcd: {  	_ =	task.clear_ibuf [dreg:s11], $0x2FFFF;
	_ =	strace $0x9FFFFFFF  }
0xce: {  	(tm) =	ssettm $0x7FFFFFFF  }
0xcf: {  	_ =	shalt  }
tec
execute0_lowered:
.L_overlay_start_1:
0x0: {  	(tag) =	ssettag $0x1  }
0x1: {  	s0 =	rddreg [dreg:$0x0]  }
0x2: {  	s1 =	rddreg [dreg:$0x1]  }
0x3: {  	s23 =	rddreg [dreg:$0x2]  }
0x4: {  	s24 =	rddreg [dreg:$0x3]  }
0x5: {  	s25 =	rddreg [dreg:$0x4]  }
0x6: {  	s26 =	rddreg [dreg:$0x5]  }
0x7: {  	s22 =	rddreg [dreg:$0x6]  }
0x8: {  	s18 =	rddreg [dreg:$0x7]  }
0x9: {  	s3 =	rddreg [dreg:$0x8]  }
0xa: {  	s30 =	rddreg [dreg:$0x9]  }
0xb: {  	[dreg:$0xb] =	wrdreg s1  }
0xc: {  	[dreg:$0xc] =	wrdreg s23  }
0xd: {  	[dreg:$0xd] =	wrdreg s24  }
0xe: {  	s4 =	srdreg.scid;
	s28 =	simm.s32 $0x0;
	[dreg:$0xe] =	wrdreg s25  }
0xf: {  	s21 =	simm.s32 $0x100;
	s24 =	stileid.u32;
	[smem:$0x7FF] =	sst s28  }
0x10: {  	s23 =	simm.s32 $0x180;
	_ =	strace $0x80000047;
	[dreg:$0x1f] =	wrdreg s21  }
0x11: {  	s4 =	sand.u32 $0x1, s4;
	s25 =	simm.s32 $0x200;
	[smem:$0x7F1] =	sst s23  }
0x12: {  	s5 =	sshll.u32 s24, $0x1;
	s15 =	ssub.s32 $0x2, s4;
	[smem:$0x7F2] =	sst s25  }
0x13: {  	s25 =	simm.s32 $0x700;
	s5 =	sor.u32 s4, s5;
	s4 =	sshrl.u32 s15, $0x1  }
0x14: {  	[smem:$0x7FB] =	sst s25;
	s6 =	sshll.u32 s5, $0x8;
	s5 =	sshll.u32 s5, $0xF  }
0x15: {  	s1 =	ssub.s32 s15, s4;
	s15 =	simm.s32 $0x580;
	s0 =	sadd.s32 s6, s0  }
0x16: {  	s29 =	sadd.s32 s26, s5;
	s26 =	simm.s32 $0x280;
	[smem:$0x7F8] =	sst s15  }
0x17: {  	s0 =	sadd.s32 $0x400, s0;
	[smem:$0x7F3] =	sst s26  }
0x18: {  	p0 =	sgt.s32 s24, $0x1;
	s2 =	sadd.s32 $0x2000, s29;
	[dreg:$0xf] =	wrdreg s0  }
0x19: {  	s23 =	simm.s32 $0x10978;
	s5 =	sadd.s32 $0x4000, s29;
	[dreg:$0x10] =	wrdreg s2  }
0x1a: {  	s21 =	simm.s32 $0x14978;
	s6 =	sadd.s32 $0x6000, s29;
	[dreg:$0x11] =	wrdreg s5  }
0x1b: {  	p1 =	seq.s32 @p0 s24, $0x2;
	s7 =	sadd.s32 $0x80, s29;
	[dreg:$0x12] =	wrdreg s6  }
0x1c: {  	p4 =	seq.s32 @!p0 s24, $0x0;
	s8 =	sadd.s32 $0x2080, s29;
	[dreg:$0x13] =	wrdreg s7  }
0x1d: {  	p2 =	por p1, !p0;
	s9 =	sadd.s32 $0x4080, s29;
	[dreg:$0x14] =	wrdreg s8  }
0x1e: {  	p3 =	por p4, p0;
	s10 =	sadd.s32 $0x6080, s29;
	[dreg:$0x15] =	wrdreg s9  }
0x1f: {  	s4 =	simm.s32 $0x1;
	s11 =	sadd.s32 $0x100, s29;
	[dreg:$0x16] =	wrdreg s10  }
0x20: {  	p2 =	seq.s32 @!p2 s24, $0x3;
	s12 =	sadd.s32 $0x2100, s29;
	[dreg:$0x17] =	wrdreg s11  }
0x21: {  	p5 =	seq.s32 @!p3 s24, $0x1;
	s13 =	sadd.s32 $0x4100, s29;
	[dreg:$0x18] =	wrdreg s12  }
0x22: {  	p3 =	por !p1, !p0;
	s14 =	sadd.s32 $0x6100, s29;
	[dreg:$0x19] =	wrdreg s13  }
0x23: {  	s15 =	simm.s32 $0x7;
	s16 =	sadd.s32 $0x180, s29;
	[dreg:$0x1a] =	wrdreg s14  }
0x24: {  	s17 =	sadd.s32 $0x2180, s29;
	s19 =	sadd.s32 $0x4180, s29;
	[dreg:$0x1b] =	wrdreg s16  }
0x25: {  	s20 =	sadd.s32 $0x6180, s29;
	p2 =	por @p0 !p2, p1;
	[dreg:$0x1c] =	wrdreg s17  }
0x26: {  	p5 =	por @!p0 !p5, p4;
	p1 =	por !p4, p0;
	[dreg:$0x1d] =	wrdreg s19  }
0x27: {  	s26 =	simm.s32 $0x780;
	p4 =	por $0x0, $0x0;
	[dreg:$0x1e] =	wrdreg s20  }
0x28: {  	s0 =	smax.u32 s1, $0x1;
	p2 =	por p2, !p0;
	p0 =	por p5, p0  }
0x29: {  	s9 =	simm.s32 $0x80;
	s11 =	simm.s32 $0x978;
	s8 =	simm.s32 $0x4978  }
0x2a: {  	s6 =	simm.s32 $0x8978;
	s5 =	simm.s32 $0x400;
	s7 =	simm.s32 $0x1000  }
0x2b: {  	s2 =	simm.s32 $0x300;
	s10 =	simm.s32 $0xC978;
	s12 =	simm.s32 $0x380  }
0x2c: {  	s19 =	simm.s32 $0x2;
	s13 =	simm.s32 $0x480;
	[smem:$0x7FC] =	sst s26  }
0x2d: {  	s14 =	simm.s32 $0x500;
	s20 =	simm.s32 $0x3;
	[smem:$0x7F4] =	sst s2  }
0x2e: {  	s16 =	simm.s32 $0x600;
	[smem:$0x7F5] =	sst s12;
	s1 =	sadd.s32 $0xFFFFFFFF, s0  }
0x2f: {  	s17 =	simm.s32 $0x680;
	[smem:$0x7F6] =	sst s13;
	p5 =	sne.s32 s1, $0x0  }
.Ltmp0:
0x30: {  	s31 =	sshrl.u32 @!p1 s22, $0x3;
	[smem:$0x7F7] =	sst s14;
	(pc) =	sbr.rel @!p5 .LBB2_1-.Ltmp0, $4  }
0x31: {  	s12 =	simm.s32 $0x4;
	[smem:$0x7F9] =	sst s16;
	s13 =	simm.s32 $0x5  }
0x32: {  	[smem:$0x7FA] =	sst s17;
	s14 =	simm.s32 $0x6;
	s16 =	simm.s32 $0x8  }
0x33: {  	s17 =	simm.s32 $0x9;
	s26 =	rddreg [dreg:$0xf];
	s0 =	sshrl.u32 @!p2 s30, $0x3  }
0x34: {  	s2 =	sshrl.u32 @!p3 s3, $0x3;
	s25 =	sshrl.u32 @!p0 s18, $0x3;
	[smem:$0x7FD] =	sst s0  }
0x35: {  	[smem:$0x7F0] =	sst s2  }
0x36: {  	s0 =	rddreg [dreg:$0xd]  }
0x37: {  	s24 =	simm.s32 @!p3 $0x1C8A;
	[smem:$0x7ED] =	sst s1;
	s1 =	simm.s32 @!p3 $0xA  }
0x38: {  	[tilespmem:s28], [sflag:$0x1] =	stream.linear.gather [hbm4b:s26+s28], $0x800, $0x38;
	[tilespmem:$0x18978] =	vst v63  }
0x39: {  	[spmem:s2], [sflag:s24] =	dma.local @!p3 [hbm:s0], $0x70  }
0x3a: {  	_ =	swait.ge @!p3 [sflag:s1], $0x70  }
0x3b: {  	s18 =	smov.u32 s25;
	s24 =	sld [smem:$0x7FD]  }
0x3c: {  	s25 =	simm.s32 @!p2 $0x1CCA;
	s26 =	smov.u32 s31;
	[sflag:s1] =	ssyncset.done @!p3 $0x0  }
0x3d: {  	s31 =	simm.s32 @!p2 $0xA;
	s0 =	rddreg [dreg:$0xe];
	[sflag:s1] =	ssyncadd.s32 @!p3 $0xFFFFFF90  }
0x3e: {  	[spmem:s24], [sflag:s25] =	dma.local @!p2 [hbm:s0], $0x180  }
0x3f: {  	_ =	swait.ge @!p2 [sflag:s31], $0x180  }
0x40: {  	s24 =	simm.s32 @!p1 $0x1C0A;
	s25 =	rddreg [dreg:$0xb];
	[sflag:s31] =	ssyncset.done @!p2 $0x0  }
0x41: {  	s0 =	simm.s32 @!p1 $0xA;
	[smem:$0x7EC] =	sst s26;
	[sflag:s31] =	ssyncadd.s32 @!p2 $0xFFFFFE80  }
0x42: {  	[spmem:s26], [sflag:s24] =	dma.local @!p1 [hbm:s25], $0x40  }
0x43: {  	_ =	swait.ge @!p1 [sflag:s0], $0x40  }
0x44: {  	s24 =	simm.s32 @!p0 $0x1C4A;
	[sflag:s0] =	ssyncset.done @!p1 $0x0  }
0x45: {  	s25 =	simm.s32 @!p0 $0xA;
	s26 =	rddreg [dreg:$0xc];
	[sflag:s0] =	ssyncadd.s32 @!p1 $0xFFFFFFC0  }
0x46: {  	[spmem:s18], [sflag:s24] =	dma.local @!p0 [hbm:s26], $0xC0  }
0x47: {  	_ =	swait.ge @!p0 [sflag:s25], $0xC0  }
0x48: {  	[sflag:s25] =	ssyncset.done @!p0 $0x0  }
0x49: {  	[sflag:s25] =	ssyncadd.s32 @!p0 $0xFFFFFF40  }
0x4a: {  	_ =	swait.ge [sflag:s4], $0x800  }
0x4b: {  	[sflag:s4] =	ssyncset.done $0x0  }
0x4c: {  	[sflag:s4] =	ssyncadd.s32 $0xFFFFF800  }
0x4d: {  	[bflag:$0x0] =	sbarrier.arrive $0xFFFF  }
0x4e: {  	[tilespmem:s11], [sflag:$0x1] =	stream.indirect.gather [spmem:s22], $0x80, s28, s9, $0xb8;
	[tilespmem:$0x18978] =	vst v63  }
0x4f: {  	_ = 	snop  }
0x50: {  	[tilespmem:s8], [sflag:$0x2] =	stream.indirect.gather [spmem:s22], $0x80, s9, s9, $0xb8;
	[tilespmem:$0x18978] =	vst v63  }
0x51: {  	s24 =	rddreg [dreg:$0x1f]  }
0x52: {  	[tilespmem:s6], [sflag:$0x3] =	stream.indirect.gather [spmem:s22], $0x80, s24, s9, $0xb8;
	[tilespmem:$0x18978] =	vst v63  }
0x53: {  	_ =	swait.ge [sflag:s4], $0x4000  }
0x54: {  	[sflag:s4] =	ssyncset.done $0x0  }
0x55: {  	s28 =	sld [smem:$0x7F1];
	[sflag:s4] =	ssyncadd.s32 $0xFFFFC000  }
0x56: {  	[hbm4b:s29+s5] =	stream.strided.scatter [tilespmem:s11], [sflag:$0x4], $0x4000, s7, s5, $0x38;
	[tilespmem:$0x18978] =	vst v63  }
0x57: {  	_ = 	snop  }
0x58: {  	[tilespmem:s10], [sflag:$0x1] =	stream.indirect.gather [spmem:s22], $0x80, s28, s9, $0xb8;
	[tilespmem:$0x18978] =	vst v63  }
0x59: {  	_ =	swait.ge [sflag:s19], $0x4000  }
0x5a: {  	s1 =	rddreg [dreg:$0x10];
	[sflag:s19] =	ssyncset.done $0x0  }
0x5b: {  	s2 =	sld [smem:$0x7F2];
	[sflag:s19] =	ssyncadd.s32 $0xFFFFC000  }
0x5c: {  	[hbm4b:s1+s5] =	stream.strided.scatter [tilespmem:s8], [sflag:$0x5], $0x4000, s7, s5, $0x38;
	[tilespmem:$0x18978] =	vst v63  }
0x5d: {  	s1 =	rddreg [dreg:$0x7]  }
0x5e: {  	[tilespmem:s23], [sflag:$0x2] =	stream.indirect.gather [spmem:s1], $0x80, s2, s9, $0xb8;
	[tilespmem:$0x18978] =	vst v63  }
0x5f: {  	_ =	swait.ge [sflag:s20], $0x4000  }
0x60: {  	s28 =	rddreg [dreg:$0x11];
	[sflag:s20] =	ssyncset.done $0x0  }
0x61: {  	s2 =	sld [smem:$0x7F3];
	[sflag:s20] =	ssyncadd.s32 $0xFFFFC000  }
0x62: {  	[hbm4b:s28+s5] =	stream.strided.scatter [tilespmem:s6], [sflag:$0x6], $0x4000, s7, s5, $0x38;
	[tilespmem:$0x18978] =	vst v63  }
0x63: {  	_ = 	snop  }
0x64: {  	[tilespmem:s21], [sflag:$0x3] =	stream.indirect.gather [spmem:s1], $0x80, s2, s9, $0xb8;
	[tilespmem:$0x18978] =	vst v63  }
0x65: {  	_ =	swait.ge [sflag:s4], $0x4000  }
0x66: {  	[sflag:s4] =	ssyncset.done $0x0  }
0x67: {  	s26 =	rddreg [dreg:$0x12];
	[sflag:s4] =	ssyncadd.s32 $0xFFFFC000  }
0x68: {  	[hbm4b:s26+s5] =	stream.strided.scatter [tilespmem:s10], [sflag:$0x7], $0x4000, s7, s5, $0x38;
	[tilespmem:$0x18978] =	vst v63  }
0x69: {  	_ =	swait.ge [sflag:s12], $0x4000  }
0x6a: {  	s28 =	sld [smem:$0x7F4]  }
0x6b: {  	[sflag:s12] =	ssyncset.done $0x0  }
0x6c: {  	[sflag:s12] =	ssyncadd.s32 $0xFFFFC000  }
0x6d: {  	[tilespmem:s11], [sflag:$0x1] =	stream.indirect.gather [spmem:s1], $0x80, s28, s9, $0xb8;
	[tilespmem:$0x18978] =	vst v63  }
0x6e: {  	_ =	swait.ge [sflag:s19], $0x4000  }
0x6f: {  	[sflag:s19] =	ssyncset.done $0x0  }
0x70: {  	s2 =	rddreg [dreg:$0x13];
	[sflag:s19] =	ssyncadd.s32 $0xFFFFC000  }
0x71: {  	[hbm4b:s2+s5] =	stream.strided.scatter [tilespmem:s23], [sflag:$0x8], $0x4000, s7, s5, $0x38;
	[tilespmem:$0x18978] =	vst v63  }
0x72: {  	_ =	swait.ge [sflag:s13], $0x4000  }
0x73: {  	s26 =	sld [smem:$0x7F5]  }
0x74: {  	[sflag:s13] =	ssyncset.done $0x0  }
0x75: {  	[sflag:s13] =	ssyncadd.s32 $0xFFFFC000  }
0x76: {  	[tilespmem:s8], [sflag:$0x2] =	stream.indirect.gather [spmem:s1], $0x80, s26, s9, $0xb8;
	[tilespmem:$0x18978] =	vst v63  }
0x77: {  	_ =	swait.ge [sflag:s20], $0x4000  }
0x78: {  	[sflag:s20] =	ssyncset.done $0x0  }
0x79: {  	s28 =	rddreg [dreg:$0x14];
	[sflag:s20] =	ssyncadd.s32 $0xFFFFC000  }
0x7a: {  	[hbm4b:s28+s5] =	stream.strided.scatter [tilespmem:s21], [sflag:$0x9], $0x4000, s7, s5, $0x38;
	[tilespmem:$0x18978] =	vst v63  }
0x7b: {  	_ =	swait.ge [sflag:s14], $0x4000  }
0x7c: {  	[sflag:s14] =	ssyncset.done $0x0  }
0x7d: {  	[sflag:s14] =	ssyncadd.s32 $0xFFFFC000  }
0x7e: {  	[tilespmem:s6], [sflag:$0x3] =	stream.indirect.gather [spmem:s3], $0x80, s5, s9, $0xb8;
	[tilespmem:$0x18978] =	vst v63  }
0x7f: {  	_ =	swait.ge [sflag:s4], $0x4000  }
0x80: {  	[sflag:s4] =	ssyncset.done $0x0  }
0x81: {  	s2 =	rddreg [dreg:$0x15];
	[sflag:s4] =	ssyncadd.s32 $0xFFFFC000  }
0x82: {  	[hbm4b:s2+s5] =	stream.strided.scatter [tilespmem:s11], [sflag:$0x4], $0x4000, s7, s5, $0x38;
	[tilespmem:$0x18978] =	vst v63  }
0x83: {  	_ =	swait.ge [sflag:s15], $0x4000  }
0x84: {  	s26 =	sld [smem:$0x7F6]  }
0x85: {  	[sflag:s15] =	ssyncset.done $0x0  }
0x86: {  	[sflag:s15] =	ssyncadd.s32 $0xFFFFC000  }
0x87: {  	[tilespmem:s10], [sflag:$0x1] =	stream.indirect.gather [spmem:s3], $0x80, s26, s9, $0xb8;
	[tilespmem:$0x18978] =	vst v63  }
0x88: {  	_ =	swait.ge [sflag:s19], $0x4000  }
0x89: {  	[sflag:s19] =	ssyncset.done $0x0  }
0x8a: {  	s28 =	rddreg [dreg:$0x16];
	[sflag:s19] =	ssyncadd.s32 $0xFFFFC000  }
0x8b: {  	[hbm4b:s28+s5] =	stream.strided.scatter [tilespmem:s8], [sflag:$0x5], $0x4000, s7, s5, $0x38;
	[tilespmem:$0x18978] =	vst v63  }
0x8c: {  	_ =	swait.ge [sflag:s16], $0x4000  }
0x8d: {  	s2 =	sld [smem:$0x7F7]  }
0x8e: {  	[sflag:s16] =	ssyncset.done $0x0  }
0x8f: {  	[sflag:s16] =	ssyncadd.s32 $0xFFFFC000  }
0x90: {  	[tilespmem:s23], [sflag:$0x2] =	stream.indirect.gather [spmem:s3], $0x80, s2, s9, $0xb8;
	[tilespmem:$0x18978] =	vst v63  }
0x91: {  	_ =	swait.ge [sflag:s20], $0x4000  }
0x92: {  	[sflag:s20] =	ssyncset.done $0x0  }
0x93: {  	s26 =	rddreg [dreg:$0x17];
	[sflag:s20] =	ssyncadd.s32 $0xFFFFC000  }
0x94: {  	[hbm4b:s26+s5] =	stream.strided.scatter [tilespmem:s6], [sflag:$0x6], $0x4000, s7, s5, $0x38;
	[tilespmem:$0x18978] =	vst v63  }
0x95: {  	_ =	swait.ge [sflag:s17], $0x4000  }
0x96: {  	s28 =	sld [smem:$0x7F8]  }
0x97: {  	[sflag:s17] =	ssyncset.done $0x0  }
0x98: {  	[sflag:s17] =	ssyncadd.s32 $0xFFFFC000  }
0x99: {  	[tilespmem:s21], [sflag:$0x3] =	stream.indirect.gather [spmem:s3], $0x80, s28, s9, $0xb8;
	[tilespmem:$0x18978] =	vst v63  }
0x9a: {  	_ =	swait.ge [sflag:s4], $0x4000  }
0x9b: {  	[sflag:s4] =	ssyncset.done $0x0  }
0x9c: {  	s2 =	rddreg [dreg:$0x18];
	[sflag:s4] =	ssyncadd.s32 $0xFFFFC000  }
0x9d: {  	[hbm4b:s2+s5] =	stream.strided.scatter [tilespmem:s10], [sflag:$0x7], $0x4000, s7, s5, $0x38;
	[tilespmem:$0x18978] =	vst v63  }
0x9e: {  	_ =	swait.ge [sflag:s12], $0x4000  }
0x9f: {  	s26 =	sld [smem:$0x7F9]  }
0xa0: {  	[sflag:s12] =	ssyncset.done $0x0  }
0xa1: {  	[sflag:s12] =	ssyncadd.s32 $0xFFFFC000  }
0xa2: {  	[tilespmem:s11], [sflag:$0x1] =	stream.indirect.gather [spmem:s30], $0x80, s26, s9, $0xb8;
	[tilespmem:$0x18978] =	vst v63  }
0xa3: {  	_ =	swait.ge [sflag:s19], $0x4000  }
0xa4: {  	[sflag:s19] =	ssyncset.done $0x0  }
0xa5: {  	s28 =	rddreg [dreg:$0x19];
	[sflag:s19] =	ssyncadd.s32 $0xFFFFC000  }
0xa6: {  	[hbm4b:s28+s5] =	stream.strided.scatter [tilespmem:s23], [sflag:$0x8], $0x4000, s7, s5, $0x38;
	[tilespmem:$0x18978] =	vst v63  }
0xa7: {  	_ =	swait.ge [sflag:s13], $0x4000  }
0xa8: {  	s2 =	sld [smem:$0x7FA]  }
0xa9: {  	[sflag:s13] =	ssyncset.done $0x0  }
0xaa: {  	[sflag:s13] =	ssyncadd.s32 $0xFFFFC000  }
0xab: {  	[tilespmem:s8], [sflag:$0x2] =	stream.indirect.gather [spmem:s30], $0x80, s2, s9, $0xb8;
	[tilespmem:$0x18978] =	vst v63  }
0xac: {  	_ =	swait.ge [sflag:s20], $0x4000  }
0xad: {  	[sflag:s20] =	ssyncset.done $0x0  }
0xae: {  	s26 =	rddreg [dreg:$0x1a];
	[sflag:s20] =	ssyncadd.s32 $0xFFFFC000  }
0xaf: {  	[hbm4b:s26+s5] =	stream.strided.scatter [tilespmem:s21], [sflag:$0x9], $0x4000, s7, s5, $0x38;
	[tilespmem:$0x18978] =	vst v63  }
0xb0: {  	_ =	swait.ge [sflag:s14], $0x4000  }
0xb1: {  	s28 =	sld [smem:$0x7FB]  }
0xb2: {  	[sflag:s14] =	ssyncset.done $0x0  }
0xb3: {  	[sflag:s14] =	ssyncadd.s32 $0xFFFFC000  }
0xb4: {  	[tilespmem:s6], [sflag:$0x3] =	stream.indirect.gather [spmem:s30], $0x80, s28, s9, $0xb8;
	[tilespmem:$0x18978] =	vst v63  }
0xb5: {  	_ =	swait.ge [sflag:s4], $0x4000  }
0xb6: {  	[sflag:s4] =	ssyncset.done $0x0  }
0xb7: {  	s2 =	rddreg [dreg:$0x1b];
	[sflag:s4] =	ssyncadd.s32 $0xFFFFC000  }
0xb8: {  	[hbm4b:s2+s5] =	stream.strided.scatter [tilespmem:s11], [sflag:$0x4], $0x4000, s7, s5, $0x38;
	[tilespmem:$0x18978] =	vst v63  }
0xb9: {  	_ =	swait.ge [sflag:s15], $0x4000  }
0xba: {  	s26 =	sld [smem:$0x7FC]  }
0xbb: {  	[sflag:s15] =	ssyncset.done $0x0  }
0xbc: {  	[sflag:s15] =	ssyncadd.s32 $0xFFFFC000  }
0xbd: {  	[tilespmem:s10], [sflag:$0x1] =	stream.indirect.gather [spmem:s30], $0x80, s26, s9, $0xb8;
	[tilespmem:$0x18978] =	vst v63  }
0xbe: {  	_ =	swait.ge [sflag:s19], $0x4000  }
0xbf: {  	[sflag:s19] =	ssyncset.done $0x0  }
0xc0: {  	s28 =	rddreg [dreg:$0x1c];
	[sflag:s19] =	ssyncadd.s32 $0xFFFFC000  }
0xc1: {  	[hbm4b:s28+s5] =	stream.strided.scatter [tilespmem:s8], [sflag:$0x5], $0x4000, s7, s5, $0x38;
	[tilespmem:$0x18978] =	vst v63  }
0xc2: {  	_ =	swait.ge [sflag:s20], $0x4000  }
0xc3: {  	[sflag:s20] =	ssyncset.done $0x0  }
0xc4: {  	s2 =	rddreg [dreg:$0x1d];
	[sflag:s20] =	ssyncadd.s32 $0xFFFFC000  }
0xc5: {  	[hbm4b:s2+s5] =	stream.strided.scatter [tilespmem:s6], [sflag:$0x6], $0x4000, s7, s5, $0x38;
	[tilespmem:$0x18978] =	vst v63  }
0xc6: {  	_ =	swait.ge [sflag:s4], $0x4000  }
0xc7: {  	[sflag:s4] =	ssyncset.done $0x0  }
0xc8: {  	s26 =	rddreg [dreg:$0x1e];
	[sflag:s4] =	ssyncadd.s32 $0xFFFFC000  }
0xc9: {  	[hbm4b:s26+s5] =	stream.strided.scatter [tilespmem:s10], [sflag:$0x7], $0x4000, s7, s5, $0x38;
	[tilespmem:$0x18978] =	vst v63  }
0xca: {  	_ =	swait.ge [sflag:s12], $0x4000  }
0xcb: {  	[sflag:s12] =	ssyncset.done $0x0  }
0xcc: {  	[sflag:s12] =	ssyncadd.s32 $0xFFFFC000  }
0xcd: {  	_ =	swait.ge [sflag:s13], $0x4000  }
0xce: {  	[sflag:s13] =	ssyncset.done $0x0  }
0xcf: {  	[sflag:s13] =	ssyncadd.s32 $0xFFFFC000  }
0xd0: {  	_ =	swait.ge [sflag:s14], $0x4000  }
0xd1: {  	[sflag:s14] =	ssyncset.done $0x0  }
0xd2: {  	[sflag:s14] =	ssyncadd.s32 $0xFFFFC000  }
0xd3: {  	_ =	swait.ge [sflag:s15], $0x4000  }
0xd4: {  	[sflag:s15] =	ssyncset.done $0x0  }
0xd5: {  	[sflag:s15] =	ssyncadd.s32 $0xFFFFC000  }
0xd6: {  	_ =	swait.ge [sflag:s16], $0x4000  }
0xd7: {  	s28 =	sld [smem:$0x7ED];
	_ =	sdelay $0x2  }
0xd8: {  	[sflag:s16] =	ssyncset.done $0x0;
	s24 =	sadd.s32 $0xFFFFFFFF, s28  }
0xd9: {  	[sflag:s16] =	ssyncadd.s32 $0xFFFFC000;
	p5 =	sne.s32 s24, $0x0  }
.Ltmp1:
0xda: {  	_ =	swait.ge [sflag:s17], $0x4000;
	(pc) =	sbr.rel @!p5 .LBB2_7-.Ltmp1, $4  }
0xdb: {  	s26 =	rddreg [dreg:$0xf]  }
0xdc: {  	[smem:$0x7EE] =	sst s29  }
0xdd: {  	[smem:$0x7EF] =	sst s18  }
0xde: {  	p4 =	por $0x1, $0x1;
	[sflag:s17] =	ssyncset.done $0x0;
	s2 =	sld [smem:$0x7F0]  }
0xdf: {  	s18 =	smov.u32 s1;
	s1 =	simm.s32 $0x0  }
.LBB2_4:
0xe0: {  	[sflag:s17] =	ssyncadd.s32 $0xFFFFC000  }
0xe1: {  	[tilespmem:s1], [sflag:$0x1] =	stream.linear.gather [hbm4b:s26+s1], $0x800, $0x38;
	[tilespmem:$0x18978] =	vst v63  }
0xe2: {  	s28 =	rddreg [dreg:$0xd];
	s26 =	simm.s32 @!p3 $0x1C8A  }
0xe3: {  	[spmem:s2], [sflag:s26] =	dma.local @!p3 [hbm:s28], $0x70  }
0xe4: {  	s28 =	simm.s32 @!p3 $0xA  }
0xe5: {  	_ =	swait.ge @!p3 [sflag:s28], $0x70  }
0xe6: {  	[sflag:s28] =	ssyncset.done @!p3 $0x0  }
0xe7: {  	[sflag:s28] =	ssyncadd.s32 @!p3 $0xFFFFFF90;
	s28 =	sld [smem:$0x7FD];
	_ =	sdelay $0x1  }
0xe8: {  	s29 =	simm.s32 @!p2 $0x1CCA;
	s26 =	rddreg [dreg:$0xe]  }
0xe9: {  	[spmem:s28], [sflag:s29] =	dma.local @!p2 [hbm:s26], $0x180  }
0xea: {  	_ =	swait.ge @!p2 [sflag:s31], $0x180  }
0xeb: {  	s28 =	sld [smem:$0x7EC]  }
0xec: {  	[sflag:s31] =	ssyncset.done @!p2 $0x0  }
0xed: {  	s29 =	simm.s32 @!p1 $0x1C0A;
	s26 =	rddreg [dreg:$0xb];
	[sflag:s31] =	ssyncadd.s32 @!p2 $0xFFFFFE80  }
0xee: {  	[spmem:s28], [sflag:s29] =	dma.local @!p1 [hbm:s26], $0x40  }
0xef: {  	_ =	swait.ge @!p1 [sflag:s0], $0x40  }
0xf0: {  	s29 =	sld [smem:$0x7EF]  }
0xf1: {  	[sflag:s0] =	ssyncset.done @!p1 $0x0  }
0xf2: {  	s28 =	simm.s32 @!p0 $0x1C4A;
	s26 =	rddreg [dreg:$0xc];
	[sflag:s0] =	ssyncadd.s32 @!p1 $0xFFFFFFC0  }
0xf3: {  	[spmem:s29], [sflag:s28] =	dma.local @!p0 [hbm:s26], $0xC0  }
0xf4: {  	_ =	swait.ge @!p0 [sflag:s25], $0xC0  }
0xf5: {  	[sflag:s25] =	ssyncset.done @!p0 $0x0  }
0xf6: {  	[sflag:s25] =	ssyncadd.s32 @!p0 $0xFFFFFF40  }
0xf7: {  	_ =	swait.ge [sflag:s4], $0x800  }
0xf8: {  	[sflag:s4] =	ssyncset.done $0x0  }
0xf9: {  	[sflag:s4] =	ssyncadd.s32 $0xFFFFF800  }
0xfa: {  	[bflag:$0x0] =	sbarrier.arrive $0xFFFF  }
0xfb: {  	[tilespmem:s11], [sflag:$0x1] =	stream.indirect.gather [spmem:s22], $0x80, s1, s9, $0xb8;
	[tilespmem:$0x18978] =	vst v63  }
0xfc: {  	_ = 	snop  }
0xfd: {  	[tilespmem:s8], [sflag:$0x2] =	stream.indirect.gather [spmem:s22], $0x80, s9, s9, $0xb8;
	[tilespmem:$0x18978] =	vst v63  }
0xfe: {  	s28 =	rddreg [dreg:$0x1f]  }
0xff: {  	[tilespmem:s6], [sflag:$0x3] =	stream.indirect.gather [spmem:s22], $0x80, s28, s9, $0xb8;
	[tilespmem:$0x18978] =	vst v63  }
0x100: {  	_ =	swait.ge [sflag:s4], $0x4000  }
0x101: {  	s29 =	sld [smem:$0x7EE]  }
0x102: {  	[sflag:s4] =	ssyncset.done $0x0  }
0x103: {  	s26 =	sld [smem:$0x7F1];
	[sflag:s4] =	ssyncadd.s32 $0xFFFFC000  }
0x104: {  	[hbm4b:s29+s5] =	stream.strided.scatter [tilespmem:s11], [sflag:$0x4], $0x4000, s7, s5, $0x38;
	[tilespmem:$0x18978] =	vst v63  }
0x105: {  	_ = 	snop  }
0x106: {  	[tilespmem:s10], [sflag:$0x1] =	stream.indirect.gather [spmem:s22], $0x80, s26, s9, $0xb8;
	[tilespmem:$0x18978] =	vst v63  }
0x107: {  	_ =	swait.ge [sflag:s19], $0x4000  }
0x108: {  	s26 =	rddreg [dreg:$0x10];
	[sflag:s19] =	ssyncset.done $0x0  }
0x109: {  	s29 =	sld [smem:$0x7F2];
	[sflag:s19] =	ssyncadd.s32 $0xFFFFC000  }
0x10a: {  	[hbm4b:s26+s5] =	stream.strided.scatter [tilespmem:s8], [sflag:$0x5], $0x4000, s7, s5, $0x38;
	[tilespmem:$0x18978] =	vst v63  }
0x10b: {  	_ = 	snop  }
0x10c: {  	[tilespmem:s23], [sflag:$0x2] =	stream.indirect.gather [spmem:s18], $0x80, s29, s9, $0xb8;
	[tilespmem:$0x18978] =	vst v63  }
0x10d: {  	_ =	swait.ge [sflag:s20], $0x4000  }
0x10e: {  	s26 =	rddreg [dreg:$0x11];
	[sflag:s20] =	ssyncset.done $0x0  }
0x10f: {  	s29 =	sld [smem:$0x7F3];
	[sflag:s20] =	ssyncadd.s32 $0xFFFFC000  }
0x110: {  	[hbm4b:s26+s5] =	stream.strided.scatter [tilespmem:s6], [sflag:$0x6], $0x4000, s7, s5, $0x38;
	[tilespmem:$0x18978] =	vst v63  }
0x111: {  	_ = 	snop  }
0x112: {  	[tilespmem:s21], [sflag:$0x3] =	stream.indirect.gather [spmem:s18], $0x80, s29, s9, $0xb8;
	[tilespmem:$0x18978] =	vst v63  }
0x113: {  	_ =	swait.ge [sflag:s4], $0x4000  }
0x114: {  	[sflag:s4] =	ssyncset.done $0x0  }
0x115: {  	s28 =	rddreg [dreg:$0x12];
	[sflag:s4] =	ssyncadd.s32 $0xFFFFC000  }
0x116: {  	[hbm4b:s28+s5] =	stream.strided.scatter [tilespmem:s10], [sflag:$0x7], $0x4000, s7, s5, $0x38;
	[tilespmem:$0x18978] =	vst v63  }
0x117: {  	_ =	swait.ge [sflag:s12], $0x4000  }
0x118: {  	s29 =	sld [smem:$0x7F4]  }
0x119: {  	[sflag:s12] =	ssyncset.done $0x0  }
0x11a: {  	[sflag:s12] =	ssyncadd.s32 $0xFFFFC000  }
0x11b: {  	[tilespmem:s11], [sflag:$0x1] =	stream.indirect.gather [spmem:s18], $0x80, s29, s9, $0xb8;
	[tilespmem:$0x18978] =	vst v63  }
0x11c: {  	_ =	swait.ge [sflag:s19], $0x4000  }
0x11d: {  	[sflag:s19] =	ssyncset.done $0x0  }
0x11e: {  	s28 =	rddreg [dreg:$0x13];
	[sflag:s19] =	ssyncadd.s32 $0xFFFFC000  }
0x11f: {  	[hbm4b:s28+s5] =	stream.strided.scatter [tilespmem:s23], [sflag:$0x8], $0x4000, s7, s5, $0x38;
	[tilespmem:$0x18978] =	vst v63  }
0x120: {  	_ =	swait.ge [sflag:s13], $0x4000  }
0x121: {  	s29 =	sld [smem:$0x7F5]  }
0x122: {  	[sflag:s13] =	ssyncset.done $0x0  }
0x123: {  	[sflag:s13] =	ssyncadd.s32 $0xFFFFC000  }
0x124: {  	[tilespmem:s8], [sflag:$0x2] =	stream.indirect.gather [spmem:s18], $0x80, s29, s9, $0xb8;
	[tilespmem:$0x18978] =	vst v63  }
0x125: {  	_ =	swait.ge [sflag:s20], $0x4000  }
0x126: {  	[sflag:s20] =	ssyncset.done $0x0  }
0x127: {  	s28 =	rddreg [dreg:$0x14];
	[sflag:s20] =	ssyncadd.s32 $0xFFFFC000  }
0x128: {  	[hbm4b:s28+s5] =	stream.strided.scatter [tilespmem:s21], [sflag:$0x9], $0x4000, s7, s5, $0x38;
	[tilespmem:$0x18978] =	vst v63  }
0x129: {  	_ =	swait.ge [sflag:s14], $0x4000  }
0x12a: {  	[sflag:s14] =	ssyncset.done $0x0  }
0x12b: {  	[sflag:s14] =	ssyncadd.s32 $0xFFFFC000  }
0x12c: {  	[tilespmem:s6], [sflag:$0x3] =	stream.indirect.gather [spmem:s3], $0x80, s5, s9, $0xb8;
	[tilespmem:$0x18978] =	vst v63  }
0x12d: {  	_ =	swait.ge [sflag:s4], $0x4000  }
0x12e: {  	[sflag:s4] =	ssyncset.done $0x0  }
0x12f: {  	s29 =	rddreg [dreg:$0x15];
	[sflag:s4] =	ssyncadd.s32 $0xFFFFC000  }
0x130: {  	[hbm4b:s29+s5] =	stream.strided.scatter [tilespmem:s11], [sflag:$0x4], $0x4000, s7, s5, $0x38;
	[tilespmem:$0x18978] =	vst v63  }
0x131: {  	_ =	swait.ge [sflag:s15], $0x4000  }
0x132: {  	s28 =	sld [smem:$0x7F6]  }
0x133: {  	[sflag:s15] =	ssyncset.done $0x0  }
0x134: {  	[sflag:s15] =	ssyncadd.s32 $0xFFFFC000  }
0x135: {  	[tilespmem:s10], [sflag:$0x1] =	stream.indirect.gather [spmem:s3], $0x80, s28, s9, $0xb8;
	[tilespmem:$0x18978] =	vst v63  }
0x136: {  	_ =	swait.ge [sflag:s19], $0x4000  }
0x137: {  	[sflag:s19] =	ssyncset.done $0x0  }
0x138: {  	s29 =	rddreg [dreg:$0x16];
	[sflag:s19] =	ssyncadd.s32 $0xFFFFC000  }
0x139: {  	[hbm4b:s29+s5] =	stream.strided.scatter [tilespmem:s8], [sflag:$0x5], $0x4000, s7, s5, $0x38;
	[tilespmem:$0x18978] =	vst v63  }
0x13a: {  	_ =	swait.ge [sflag:s16], $0x4000  }
0x13b: {  	s28 =	sld [smem:$0x7F7]  }
0x13c: {  	[sflag:s16] =	ssyncset.done $0x0  }
0x13d: {  	[sflag:s16] =	ssyncadd.s32 $0xFFFFC000  }
0x13e: {  	[tilespmem:s23], [sflag:$0x2] =	stream.indirect.gather [spmem:s3], $0x80, s28, s9, $0xb8;
	[tilespmem:$0x18978] =	vst v63  }
0x13f: {  	_ =	swait.ge [sflag:s20], $0x4000  }
0x140: {  	[sflag:s20] =	ssyncset.done $0x0  }
0x141: {  	s29 =	rddreg [dreg:$0x17];
	[sflag:s20] =	ssyncadd.s32 $0xFFFFC000  }
0x142: {  	[hbm4b:s29+s5] =	stream.strided.scatter [tilespmem:s6], [sflag:$0x6], $0x4000, s7, s5, $0x38;
	[tilespmem:$0x18978] =	vst v63  }
0x143: {  	_ =	swait.ge [sflag:s17], $0x4000  }
0x144: {  	s28 =	sld [smem:$0x7F8]  }
0x145: {  	[sflag:s17] =	ssyncset.done $0x0  }
0x146: {  	[sflag:s17] =	ssyncadd.s32 $0xFFFFC000  }
0x147: {  	[tilespmem:s21], [sflag:$0x3] =	stream.indirect.gather [spmem:s3], $0x80, s28, s9, $0xb8;
	[tilespmem:$0x18978] =	vst v63  }
0x148: {  	_ =	swait.ge [sflag:s4], $0x4000  }
0x149: {  	[sflag:s4] =	ssyncset.done $0x0  }
0x14a: {  	s29 =	rddreg [dreg:$0x18];
	[sflag:s4] =	ssyncadd.s32 $0xFFFFC000  }
0x14b: {  	[hbm4b:s29+s5] =	stream.strided.scatter [tilespmem:s10], [sflag:$0x7], $0x4000, s7, s5, $0x38;
	[tilespmem:$0x18978] =	vst v63  }
0x14c: {  	_ =	swait.ge [sflag:s12], $0x4000  }
0x14d: {  	s28 =	sld [smem:$0x7F9]  }
0x14e: {  	[sflag:s12] =	ssyncset.done $0x0  }
0x14f: {  	[sflag:s12] =	ssyncadd.s32 $0xFFFFC000  }
0x150: {  	[tilespmem:s11], [sflag:$0x1] =	stream.indirect.gather [spmem:s30], $0x80, s28, s9, $0xb8;
	[tilespmem:$0x18978] =	vst v63  }
0x151: {  	_ =	swait.ge [sflag:s19], $0x4000  }
0x152: {  	[sflag:s19] =	ssyncset.done $0x0  }
0x153: {  	s29 =	rddreg [dreg:$0x19];
	[sflag:s19] =	ssyncadd.s32 $0xFFFFC000  }
0x154: {  	[hbm4b:s29+s5] =	stream.strided.scatter [tilespmem:s23], [sflag:$0x8], $0x4000, s7, s5, $0x38;
	[tilespmem:$0x18978] =	vst v63  }
0x155: {  	_ =	swait.ge [sflag:s13], $0x4000  }
0x156: {  	s28 =	sld [smem:$0x7FA]  }
0x157: {  	[sflag:s13] =	ssyncset.done $0x0  }
0x158: {  	[sflag:s13] =	ssyncadd.s32 $0xFFFFC000  }
0x159: {  	[tilespmem:s8], [sflag:$0x2] =	stream.indirect.gather [spmem:s30], $0x80, s28, s9, $0xb8;
	[tilespmem:$0x18978] =	vst v63  }
0x15a: {  	_ =	swait.ge [sflag:s20], $0x4000  }
0x15b: {  	[sflag:s20] =	ssyncset.done $0x0  }
0x15c: {  	s29 =	rddreg [dreg:$0x1a];
	[sflag:s20] =	ssyncadd.s32 $0xFFFFC000  }
0x15d: {  	[hbm4b:s29+s5] =	stream.strided.scatter [tilespmem:s21], [sflag:$0x9], $0x4000, s7, s5, $0x38;
	[tilespmem:$0x18978] =	vst v63  }
0x15e: {  	_ =	swait.ge [sflag:s14], $0x4000  }
0x15f: {  	s28 =	sld [smem:$0x7FB]  }
0x160: {  	[sflag:s14] =	ssyncset.done $0x0  }
0x161: {  	[sflag:s14] =	ssyncadd.s32 $0xFFFFC000  }
0x162: {  	[tilespmem:s6], [sflag:$0x3] =	stream.indirect.gather [spmem:s30], $0x80, s28, s9, $0xb8;
	[tilespmem:$0x18978] =	vst v63  }
0x163: {  	_ =	swait.ge [sflag:s4], $0x4000  }
0x164: {  	[sflag:s4] =	ssyncset.done $0x0  }
0x165: {  	s29 =	rddreg [dreg:$0x1b];
	[sflag:s4] =	ssyncadd.s32 $0xFFFFC000  }
0x166: {  	[hbm4b:s29+s5] =	stream.strided.scatter [tilespmem:s11], [sflag:$0x4], $0x4000, s7, s5, $0x38;
	[tilespmem:$0x18978] =	vst v63  }
0x167: {  	_ =	swait.ge [sflag:s15], $0x4000  }
0x168: {  	s28 =	sld [smem:$0x7FC]  }
0x169: {  	[sflag:s15] =	ssyncset.done $0x0  }
0x16a: {  	[sflag:s15] =	ssyncadd.s32 $0xFFFFC000  }
0x16b: {  	[tilespmem:s10], [sflag:$0x1] =	stream.indirect.gather [spmem:s30], $0x80, s28, s9, $0xb8;
	[tilespmem:$0x18978] =	vst v63  }
0x16c: {  	_ =	swait.ge [sflag:s19], $0x4000  }
0x16d: {  	[sflag:s19] =	ssyncset.done $0x0  }
0x16e: {  	s29 =	rddreg [dreg:$0x1c];
	[sflag:s19] =	ssyncadd.s32 $0xFFFFC000  }
0x16f: {  	[hbm4b:s29+s5] =	stream.strided.scatter [tilespmem:s8], [sflag:$0x5], $0x4000, s7, s5, $0x38;
	[tilespmem:$0x18978] =	vst v63  }
0x170: {  	_ =	swait.ge [sflag:s20], $0x4000  }
0x171: {  	[sflag:s20] =	ssyncset.done $0x0  }
0x172: {  	s28 =	rddreg [dreg:$0x1d];
	[sflag:s20] =	ssyncadd.s32 $0xFFFFC000  }
0x173: {  	[hbm4b:s28+s5] =	stream.strided.scatter [tilespmem:s6], [sflag:$0x6], $0x4000, s7, s5, $0x38;
	[tilespmem:$0x18978] =	vst v63  }
0x174: {  	_ =	swait.ge [sflag:s4], $0x4000  }
0x175: {  	[sflag:s4] =	ssyncset.done $0x0  }
0x176: {  	s29 =	rddreg [dreg:$0x1e];
	[sflag:s4] =	ssyncadd.s32 $0xFFFFC000  }
0x177: {  	[hbm4b:s29+s5] =	stream.strided.scatter [tilespmem:s10], [sflag:$0x7], $0x4000, s7, s5, $0x38;
	[tilespmem:$0x18978] =	vst v63  }
0x178: {  	_ =	swait.ge [sflag:s12], $0x4000  }
0x179: {  	[sflag:s12] =	ssyncset.done $0x0  }
0x17a: {  	[sflag:s12] =	ssyncadd.s32 $0xFFFFC000  }
0x17b: {  	_ =	swait.ge [sflag:s13], $0x4000  }
0x17c: {  	[sflag:s13] =	ssyncset.done $0x0  }
0x17d: {  	[sflag:s13] =	ssyncadd.s32 $0xFFFFC000  }
0x17e: {  	_ =	swait.ge [sflag:s14], $0x4000  }
0x17f: {  	[sflag:s14] =	ssyncset.done $0x0  }
0x180: {  	[sflag:s14] =	ssyncadd.s32 $0xFFFFC000  }
0x181: {  	_ =	swait.ge [sflag:s15], $0x4000  }
0x182: {  	s24 =	sadd.s32 $0xFFFFFFFF, s24;
	[sflag:s15] =	ssyncset.done $0x0  }
0x183: {  	p5 =	sne.s32 s24, $0x0;
	[sflag:s15] =	ssyncadd.s32 $0xFFFFC000  }
.Ltmp2:
0x184: {  	_ =	swait.ge [sflag:s16], $0x4000;
	(pc) =	sbr.rel @p5 .LBB2_4-.Ltmp2, $4  }
0x185: {  	[sflag:s16] =	ssyncset.done $0x0  }
0x186: {  	[sflag:s16] =	ssyncadd.s32 $0xFFFFC000  }
0x187: {  	_ =	swait.ge [sflag:s17], $0x4000  }
0x188: {  	s26 =	rddreg [dreg:$0xf];
	[sflag:s17] =	ssyncset.done $0x0  }
0x189: {  	s18 =	sld [smem:$0x7FD]  }
0x18a: {  	s29 =	sld [smem:$0x7EE]  }
0x18b: {  	s25 =	sld [smem:$0x7EF]  }
0x18c: {  	s24 =	stileid.u32;
	s28 =	simm.s32 $0x0;
	s31 =	sld [smem:$0x7EC]  }
.LBB2_6:
0x18d: {  	[sflag:s17] =	ssyncadd.s32 @p4 $0xFFFFC000;
	s0 =	rddreg [dreg:$0xd];
	s1 =	simm.s32 @!p3 $0x1C8A  }
0x18e: {  	[tilespmem:s28], [sflag:$0x1] =	stream.linear.gather [hbm4b:s26+s28], $0x800, $0x38;
	[tilespmem:$0x18978] =	vst v63  }
0x18f: {  	[spmem:s2], [sflag:s1] =	dma.local @!p3 [hbm:s0], $0x70  }
0x190: {  	s0 =	simm.s32 @!p3 $0xA  }
0x191: {  	_ =	swait.ge @!p3 [sflag:s0], $0x70  }
0x192: {  	[sflag:s0] =	ssyncset.done @!p3 $0x0  }
0x193: {  	s1 =	rddreg [dreg:$0xe];
	[sflag:s0] =	ssyncadd.s32 @!p3 $0xFFFFFF90;
	s0 =	simm.s32 @!p2 $0x1CCA  }
0x194: {  	[spmem:s18], [sflag:s0] =	dma.local @!p2 [hbm:s1], $0x180  }
0x195: {  	s0 =	simm.s32 @!p2 $0xA  }
0x196: {  	_ =	swait.ge @!p2 [sflag:s0], $0x180  }
0x197: {  	[sflag:s0] =	ssyncset.done @!p2 $0x0  }
0x198: {  	s1 =	rddreg [dreg:$0xb];
	[sflag:s0] =	ssyncadd.s32 @!p2 $0xFFFFFE80;
	s0 =	simm.s32 @!p1 $0x1C0A  }
0x199: {  	[spmem:s31], [sflag:s0] =	dma.local @!p1 [hbm:s1], $0x40  }
0x19a: {  	s0 =	simm.s32 @!p1 $0xA  }
0x19b: {  	_ =	swait.ge @!p1 [sflag:s0], $0x40  }
0x19c: {  	[sflag:s0] =	ssyncset.done @!p1 $0x0  }
0x19d: {  	s1 =	rddreg [dreg:$0xc];
	[sflag:s0] =	ssyncadd.s32 @!p1 $0xFFFFFFC0;
	s0 =	simm.s32 @!p0 $0x1C4A  }
0x19e: {  	[spmem:s25], [sflag:s0] =	dma.local @!p0 [hbm:s1], $0xC0  }
0x19f: {  	s0 =	simm.s32 @!p0 $0xA  }
0x1a0: {  	_ =	swait.ge @!p0 [sflag:s0], $0xC0  }
0x1a1: {  	[sflag:s0] =	ssyncset.done @!p0 $0x0  }
0x1a2: {  	[sflag:s0] =	ssyncadd.s32 @!p0 $0xFFFFFF40  }
0x1a3: {  	_ =	swait.ge [sflag:s4], $0x800  }
0x1a4: {  	[sflag:s4] =	ssyncset.done $0x0  }
0x1a5: {  	[sflag:s4] =	ssyncadd.s32 $0xFFFFF800  }
0x1a6: {  	[bflag:$0x0] =	sbarrier.arrive $0xFFFF  }
0x1a7: {  	[tilespmem:s11], [sflag:$0x1] =	stream.indirect.gather [spmem:s22], $0x80, s28, s9, $0xb8;
	[tilespmem:$0x18978] =	vst v63  }
0x1a8: {  	_ = 	snop  }
0x1a9: {  	[tilespmem:s8], [sflag:$0x2] =	stream.indirect.gather [spmem:s22], $0x80, s9, s9, $0xb8;
	[tilespmem:$0x18978] =	vst v63  }
0x1aa: {  	s1 =	rddreg [dreg:$0x1f]  }
0x1ab: {  	[tilespmem:s6], [sflag:$0x3] =	stream.indirect.gather [spmem:s22], $0x80, s1, s9, $0xb8;
	[tilespmem:$0x18978] =	vst v63  }
0x1ac: {  	_ =	swait.ge [sflag:s4], $0x4000  }
0x1ad: {  	[sflag:s4] =	ssyncset.done $0x0  }
0x1ae: {  	s2 =	sld [smem:$0x7F1];
	[sflag:s4] =	ssyncadd.s32 $0xFFFFC000  }
0x1af: {  	[hbm4b:s29+s5] =	stream.strided.scatter [tilespmem:s11], [sflag:$0x4], $0x4000, s7, s5, $0x38;
	[tilespmem:$0x18978] =	vst v63  }
0x1b0: {  	_ = 	snop  }
0x1b1: {  	[tilespmem:s10], [sflag:$0x1] =	stream.indirect.gather [spmem:s22], $0x80, s2, s9, $0xb8;
	[tilespmem:$0x18978] =	vst v63  }
0x1b2: {  	_ =	swait.ge [sflag:s19], $0x4000  }
0x1b3: {  	s18 =	rddreg [dreg:$0x10];
	[sflag:s19] =	ssyncset.done $0x0  }
0x1b4: {  	s22 =	sld [smem:$0x7F2];
	[sflag:s19] =	ssyncadd.s32 $0xFFFFC000  }
0x1b5: {  	[hbm4b:s18+s5] =	stream.strided.scatter [tilespmem:s8], [sflag:$0x5], $0x4000, s7, s5, $0x38;
	[tilespmem:$0x18978] =	vst v63  }
0x1b6: {  	s25 =	rddreg [dreg:$0x7]  }
0x1b7: {  	[tilespmem:s23], [sflag:$0x2] =	stream.indirect.gather [spmem:s25], $0x80, s22, s9, $0xb8;
	[tilespmem:$0x18978] =	vst v63  }
0x1b8: {  	_ =	swait.ge [sflag:s20], $0x4000  }
0x1b9: {  	s26 =	rddreg [dreg:$0x11];
	[sflag:s20] =	ssyncset.done $0x0  }
0x1ba: {  	s28 =	sld [smem:$0x7F3];
	[sflag:s20] =	ssyncadd.s32 $0xFFFFC000  }
0x1bb: {  	[hbm4b:s26+s5] =	stream.strided.scatter [tilespmem:s6], [sflag:$0x6], $0x4000, s7, s5, $0x38;
	[tilespmem:$0x18978] =	vst v63  }
0x1bc: {  	_ = 	snop  }
0x1bd: {  	[tilespmem:s21], [sflag:$0x3] =	stream.indirect.gather [spmem:s25], $0x80, s28, s9, $0xb8;
	[tilespmem:$0x18978] =	vst v63  }
0x1be: {  	_ =	swait.ge [sflag:s4], $0x4000  }
0x1bf: {  	[sflag:s4] =	ssyncset.done $0x0  }
0x1c0: {  	s29 =	rddreg [dreg:$0x12];
	[sflag:s4] =	ssyncadd.s32 $0xFFFFC000  }
0x1c1: {  	[hbm4b:s29+s5] =	stream.strided.scatter [tilespmem:s10], [sflag:$0x7], $0x4000, s7, s5, $0x38;
	[tilespmem:$0x18978] =	vst v63  }
0x1c2: {  	_ =	swait.ge [sflag:s12], $0x4000  }
0x1c3: {  	s31 =	sld [smem:$0x7F4]  }
0x1c4: {  	[sflag:s12] =	ssyncset.done $0x0  }
0x1c5: {  	[sflag:s12] =	ssyncadd.s32 $0xFFFFC000  }
0x1c6: {  	[tilespmem:s11], [sflag:$0x1] =	stream.indirect.gather [spmem:s25], $0x80, s31, s9, $0xb8;
	[tilespmem:$0x18978] =	vst v63  }
0x1c7: {  	_ =	swait.ge [sflag:s19], $0x4000  }
0x1c8: {  	[sflag:s19] =	ssyncset.done $0x0  }
0x1c9: {  	s1 =	rddreg [dreg:$0x13];
	[sflag:s19] =	ssyncadd.s32 $0xFFFFC000  }
0x1ca: {  	[hbm4b:s1+s5] =	stream.strided.scatter [tilespmem:s23], [sflag:$0x8], $0x4000, s7, s5, $0x38;
	[tilespmem:$0x18978] =	vst v63  }
0x1cb: {  	_ =	swait.ge [sflag:s13], $0x4000  }
0x1cc: {  	s18 =	sld [smem:$0x7F5]  }
0x1cd: {  	[sflag:s13] =	ssyncset.done $0x0  }
0x1ce: {  	[sflag:s13] =	ssyncadd.s32 $0xFFFFC000  }
0x1cf: {  	[tilespmem:s8], [sflag:$0x2] =	stream.indirect.gather [spmem:s25], $0x80, s18, s9, $0xb8;
	[tilespmem:$0x18978] =	vst v63  }
0x1d0: {  	_ =	swait.ge [sflag:s20], $0x4000  }
0x1d1: {  	[sflag:s20] =	ssyncset.done $0x0  }
0x1d2: {  	s22 =	rddreg [dreg:$0x14];
	[sflag:s20] =	ssyncadd.s32 $0xFFFFC000  }
0x1d3: {  	[hbm4b:s22+s5] =	stream.strided.scatter [tilespmem:s21], [sflag:$0x9], $0x4000, s7, s5, $0x38;
	[tilespmem:$0x18978] =	vst v63  }
0x1d4: {  	_ =	swait.ge [sflag:s14], $0x4000  }
0x1d5: {  	[sflag:s14] =	ssyncset.done $0x0  }
0x1d6: {  	[sflag:s14] =	ssyncadd.s32 $0xFFFFC000  }
0x1d7: {  	[tilespmem:s6], [sflag:$0x3] =	stream.indirect.gather [spmem:s3], $0x80, s5, s9, $0xb8;
	[tilespmem:$0x18978] =	vst v63  }
0x1d8: {  	_ =	swait.ge [sflag:s4], $0x4000  }
0x1d9: {  	[sflag:s4] =	ssyncset.done $0x0  }
0x1da: {  	s25 =	rddreg [dreg:$0x15];
	[sflag:s4] =	ssyncadd.s32 $0xFFFFC000  }
0x1db: {  	[hbm4b:s25+s5] =	stream.strided.scatter [tilespmem:s11], [sflag:$0x4], $0x4000, s7, s5, $0x38;
	[tilespmem:$0x18978] =	vst v63  }
0x1dc: {  	_ =	swait.ge [sflag:s15], $0x4000  }
0x1dd: {  	s26 =	sld [smem:$0x7F6]  }
0x1de: {  	[sflag:s15] =	ssyncset.done $0x0  }
0x1df: {  	[sflag:s15] =	ssyncadd.s32 $0xFFFFC000  }
0x1e0: {  	[tilespmem:s10], [sflag:$0x1] =	stream.indirect.gather [spmem:s3], $0x80, s26, s9, $0xb8;
	[tilespmem:$0x18978] =	vst v63  }
0x1e1: {  	_ =	swait.ge [sflag:s19], $0x4000  }
0x1e2: {  	[sflag:s19] =	ssyncset.done $0x0  }
0x1e3: {  	s28 =	rddreg [dreg:$0x16];
	[sflag:s19] =	ssyncadd.s32 $0xFFFFC000  }
0x1e4: {  	[hbm4b:s28+s5] =	stream.strided.scatter [tilespmem:s8], [sflag:$0x5], $0x4000, s7, s5, $0x38;
	[tilespmem:$0x18978] =	vst v63  }
0x1e5: {  	_ =	swait.ge [sflag:s16], $0x4000  }
0x1e6: {  	s29 =	sld [smem:$0x7F7]  }
0x1e7: {  	[sflag:s16] =	ssyncset.done $0x0  }
0x1e8: {  	[sflag:s16] =	ssyncadd.s32 $0xFFFFC000  }
0x1e9: {  	[tilespmem:s23], [sflag:$0x2] =	stream.indirect.gather [spmem:s3], $0x80, s29, s9, $0xb8;
	[tilespmem:$0x18978] =	vst v63  }
0x1ea: {  	_ =	swait.ge [sflag:s20], $0x4000  }
0x1eb: {  	[sflag:s20] =	ssyncset.done $0x0  }
0x1ec: {  	s31 =	rddreg [dreg:$0x17];
	[sflag:s20] =	ssyncadd.s32 $0xFFFFC000  }
0x1ed: {  	[hbm4b:s31+s5] =	stream.strided.scatter [tilespmem:s6], [sflag:$0x6], $0x4000, s7, s5, $0x38;
	[tilespmem:$0x18978] =	vst v63  }
0x1ee: {  	_ =	swait.ge [sflag:s17], $0x4000  }
0x1ef: {  	s1 =	sld [smem:$0x7F8]  }
0x1f0: {  	[sflag:s17] =	ssyncset.done $0x0  }
0x1f1: {  	[sflag:s17] =	ssyncadd.s32 $0xFFFFC000  }
0x1f2: {  	[tilespmem:s21], [sflag:$0x3] =	stream.indirect.gather [spmem:s3], $0x80, s1, s9, $0xb8;
	[tilespmem:$0x18978] =	vst v63  }
0x1f3: {  	_ =	swait.ge [sflag:s4], $0x4000  }
0x1f4: {  	[sflag:s4] =	ssyncset.done $0x0  }
0x1f5: {  	s2 =	rddreg [dreg:$0x18];
	[sflag:s4] =	ssyncadd.s32 $0xFFFFC000  }
0x1f6: {  	[hbm4b:s2+s5] =	stream.strided.scatter [tilespmem:s10], [sflag:$0x7], $0x4000, s7, s5, $0x38;
	[tilespmem:$0x18978] =	vst v63  }
0x1f7: {  	_ =	swait.ge [sflag:s12], $0x4000  }
0x1f8: {  	s3 =	sld [smem:$0x7F9]  }
0x1f9: {  	[sflag:s12] =	ssyncset.done $0x0  }
0x1fa: {  	[sflag:s12] =	ssyncadd.s32 $0xFFFFC000  }
0x1fb: {  	[tilespmem:s11], [sflag:$0x1] =	stream.indirect.gather [spmem:s30], $0x80, s3, s9, $0xb8;
	[tilespmem:$0x18978] =	vst v63  }
0x1fc: {  	_ =	swait.ge [sflag:s19], $0x4000  }
0x1fd: {  	[sflag:s19] =	ssyncset.done $0x0  }
0x1fe: {  	s18 =	rddreg [dreg:$0x19];
	[sflag:s19] =	ssyncadd.s32 $0xFFFFC000  }
0x1ff: {  	[hbm4b:s18+s5] =	stream.strided.scatter [tilespmem:s23], [sflag:$0x8], $0x4000, s7, s5, $0x38;
	[tilespmem:$0x18978] =	vst v63  }
0x200: {  	_ =	swait.ge [sflag:s13], $0x4000  }
0x201: {  	s22 =	sld [smem:$0x7FA]  }
0x202: {  	[sflag:s13] =	ssyncset.done $0x0  }
0x203: {  	[sflag:s13] =	ssyncadd.s32 $0xFFFFC000  }
0x204: {  	[tilespmem:s8], [sflag:$0x2] =	stream.indirect.gather [spmem:s30], $0x80, s22, s9, $0xb8;
	[tilespmem:$0x18978] =	vst v63  }
0x205: {  	_ =	swait.ge [sflag:s20], $0x4000  }
0x206: {  	[sflag:s20] =	ssyncset.done $0x0  }
0x207: {  	s23 =	rddreg [dreg:$0x1a];
	[sflag:s20] =	ssyncadd.s32 $0xFFFFC000  }
0x208: {  	[hbm4b:s23+s5] =	stream.strided.scatter [tilespmem:s21], [sflag:$0x9], $0x4000, s7, s5, $0x38;
	[tilespmem:$0x18978] =	vst v63  }
0x209: {  	_ =	swait.ge [sflag:s14], $0x4000  }
0x20a: {  	s25 =	sld [smem:$0x7FB]  }
0x20b: {  	[sflag:s14] =	ssyncset.done $0x0  }
0x20c: {  	[sflag:s14] =	ssyncadd.s32 $0xFFFFC000  }
0x20d: {  	[tilespmem:s6], [sflag:$0x3] =	stream.indirect.gather [spmem:s30], $0x80, s25, s9, $0xb8;
	[tilespmem:$0x18978] =	vst v63  }
0x20e: {  	_ =	swait.ge [sflag:s4], $0x4000  }
0x20f: {  	[sflag:s4] =	ssyncset.done $0x0  }
0x210: {  	s26 =	rddreg [dreg:$0x1b];
	[sflag:s4] =	ssyncadd.s32 $0xFFFFC000  }
0x211: {  	[hbm4b:s26+s5] =	stream.strided.scatter [tilespmem:s11], [sflag:$0x4], $0x4000, s7, s5, $0x38;
	[tilespmem:$0x18978] =	vst v63  }
0x212: {  	_ =	swait.ge [sflag:s15], $0x4000  }
0x213: {  	s28 =	sld [smem:$0x7FC]  }
0x214: {  	[sflag:s15] =	ssyncset.done $0x0  }
0x215: {  	[sflag:s15] =	ssyncadd.s32 $0xFFFFC000  }
0x216: {  	[tilespmem:s10], [sflag:$0x1] =	stream.indirect.gather [spmem:s30], $0x80, s28, s9, $0xb8;
	[tilespmem:$0x18978] =	vst v63  }
0x217: {  	_ =	swait.ge [sflag:s19], $0x4000  }
0x218: {  	[sflag:s19] =	ssyncset.done $0x0  }
0x219: {  	s29 =	rddreg [dreg:$0x1c];
	[sflag:s19] =	ssyncadd.s32 $0xFFFFC000  }
0x21a: {  	[hbm4b:s29+s5] =	stream.strided.scatter [tilespmem:s8], [sflag:$0x5], $0x4000, s7, s5, $0x38;
	[tilespmem:$0x18978] =	vst v63  }
0x21b: {  	_ =	swait.ge [sflag:s20], $0x4000  }
0x21c: {  	[sflag:s20] =	ssyncset.done $0x0  }
0x21d: {  	s30 =	rddreg [dreg:$0x1d];
	[sflag:s20] =	ssyncadd.s32 $0xFFFFC000  }
0x21e: {  	[hbm4b:s30+s5] =	stream.strided.scatter [tilespmem:s6], [sflag:$0x6], $0x4000, s7, s5, $0x38;
	[tilespmem:$0x18978] =	vst v63  }
0x21f: {  	_ =	swait.ge [sflag:s4], $0x4000  }
0x220: {  	[sflag:s4] =	ssyncset.done $0x0  }
0x221: {  	s31 =	rddreg [dreg:$0x1e];
	[sflag:s4] =	ssyncadd.s32 $0xFFFFC000  }
0x222: {  	[hbm4b:s31+s5] =	stream.strided.scatter [tilespmem:s10], [sflag:$0x7], $0x4000, s7, s5, $0x38;
	[tilespmem:$0x18978] =	vst v63  }
0x223: {  	_ =	swait.ge [sflag:s12], $0x4000  }
0x224: {  	[sflag:s12] =	ssyncset.done $0x0  }
0x225: {  	[sflag:s12] =	ssyncadd.s32 $0xFFFFC000  }
0x226: {  	_ =	swait.ge [sflag:s13], $0x4000  }
0x227: {  	[sflag:s13] =	ssyncset.done $0x0  }
0x228: {  	[sflag:s13] =	ssyncadd.s32 $0xFFFFC000  }
0x229: {  	_ =	swait.ge [sflag:s14], $0x4000  }
0x22a: {  	[sflag:s14] =	ssyncset.done $0x0  }
0x22b: {  	[sflag:s14] =	ssyncadd.s32 $0xFFFFC000  }
0x22c: {  	_ =	swait.ge [sflag:s15], $0x4000  }
0x22d: {  	[sflag:s15] =	ssyncset.done $0x0  }
0x22e: {  	[sflag:s15] =	ssyncadd.s32 $0xFFFFC000  }
0x22f: {  	_ =	swait.ge [sflag:s16], $0x4000  }
0x230: {  	[sflag:s16] =	ssyncset.done $0x0  }
0x231: {  	[sflag:s16] =	ssyncadd.s32 $0xFFFFC000  }
0x232: {  	_ =	swait.ge [sflag:s17], $0x4000  }
0x233: {  	[sflag:s17] =	ssyncset.done $0x0  }
0x234: {  	[sflag:s17] =	ssyncadd.s32 $0xFFFFC000  }
0x235: {  	_ =	sfence.sel $0x180000  }
0x236: {  	[bflag:$0x0] =	sbarrier.arrive $0xFFFF  }
0x237: {  	_ =	strace $0x90000047  }
0x238: {  	[bflag:$0x2] =	sbarrier.arrive $0xFFFF  }
0x239: {  	p0 =	sne.s32 s24, $0x0;
	s0 =	rddreg [dreg:$0xa]  }
0x23a: {  	s0 =	sadd.s32 @!p0 $0x100000, s0  }
0x23b: {  	[sflag:s0] =	ssyncadd.tile.s32 @!p0 $0x1;
	_ =	shalt  }
.LBB2_1:
.Ltmp3:
0x23c: {  	(pc) =	sbr.rel .LBB2_6-.Ltmp3, $2  }
0x23d: {  	_ =	sdelay $0x2  }
0x23e: {  	s18 =	sld [smem:$0x7FD]  }
.LBB2_7:
.Ltmp4:
0x23f: {  	(pc) =	sbr.rel .LBB2_6-.Ltmp4, $4  }
0x240: {  	s18 =	sld [smem:$0x7FD]  }
0x241: {  	s29 =	sld [smem:$0x7EE]  }
0x242: {  	s25 =	sld [smem:$0x7EF]  }
0x243: {  	s24 =	stileid.u32;
	s28 =	simm.s32 $0x0;
	s31 =	sld [smem:$0x7EC]  }
.Lfunc_end2:
_tile_overlayer_lowered:
.L_overlay_start_2:
0x244: {  	(tag) =	ssettag $0x2  }
0x245: {  	s0 =	rddreg [dreg:$0x0];
	s2 =	stileid.u32  }
0x246: {  	s1 =	rddreg [dreg:$0x1];
	p0 =	sne.s32 s2, $0x0  }
0x247: {  	s3 =	rddreg [dreg:$0x2];
	[bflag:$0x3] =	sbarrier.arrive $0xFFFF;
	s2 =	simm.s32 @!p0 $0x1C0A  }
0x248: {  	[timem:s3], [sflag:s2] =	dma.local @!p0 [hbm:s0], s1  }
0x249: {  	s0 =	simm.s32 @!p0 $0xA  }
0x24a: {  	_ =	swait.ge @!p0 [sflag:s0], s1  }
0x24b: {  	s1 =	ssub.s32 @!p0 $0x0, s1;
	[sflag:s0] =	ssyncset.done @!p0 $0x0  }
0x24c: {  	[sflag:s0] =	ssyncadd.s32 @!p0 s1  }
0x24d: {  	[bflag:$0x3] =	sbarrier.arrive $0xFFFF  }
0x24e: {  	_ =	shalt  }

</sc_bundles>
